<compile_context>
chip_gen: v7x
topology: tpu7x:2x2x1
jax: 0.10.2.dev20260603
libtpu: 0.0.44.dev20260713+nightly
codegen_flags: <defaults>
</compile_context>

<pallas_src>
import jax
import jax.numpy as jnp
from jax import lax
from jax.experimental import pallas as pl
from jax.experimental.pallas import tpu as pltpu
from jax.experimental.pallas import tpu_sc as plsc

N_GRAPHS = 512
N_NODES = 100000
N_EDGES = 1600000
NODE_DIM = 128
EDGE_DIM = 16
HIDDEN = 64

NW = 32
L = 128

N_FULL = N_NODES // L
N_TAIL = N_NODES - N_FULL * L
N_CNT = N_FULL // NW
N_EXTRA = N_FULL - N_CNT * NW
N_MAX = N_CNT + 1

CW = 2048
E_LIMIT = N_EDGES - CW
G_PER_TILE = N_GRAPHS // NW


def _node_phase(src_hbm, idxb, acc, buf0, buf1, sem0, sem1, start, cnt):

    @pl.when(cnt > 0)
    def _():
        pltpu.async_copy(src_hbm.at[pl.ds(start * L, L), :], buf0, sem0)

    @pl.when(cnt > 1)
    def _():
        pltpu.async_copy(src_hbm.at[pl.ds((start + 1) * L, L), :], buf1, sem1)

    def _pair(tp, _):
        for half, (buf, sem) in enumerate(((buf0, sem0), (buf1, sem1))):
            t = 2 * tp + half

            @pl.when(t < cnt)
            def _():
                pltpu.make_async_copy(
                    src_hbm.at[pl.ds((start + t) * L, L), :], buf, sem).wait()
                pltpu.sync_copy(buf, acc.at[idxb.at[pl.ds(t * L, L)]],
                                add=True)

                @pl.when(t + 2 < cnt)
                def _():
                    pltpu.async_copy(
                        src_hbm.at[pl.ds((start + t + 2) * L, L), :], buf, sem)
        return _

    lax.fori_loop(0, (N_MAX + 1) // 2, _pair, None)


def _edge_phase(eT_hbm, starts, ep_out, ebuf0, ebuf1, fbufh, fbuft, obuf,
                esem0, esem1, wid):
    iota = lax.iota(jnp.int32, 16)
    zero16 = jnp.zeros((16,), jnp.float32)
    UNROLL = 8

    def _graph(gloc, _):
        g = wid * G_PER_TILE + gloc
        win = starts[pl.ds(g, 16)]
        a = win[0]
        b = win[1]
        fl_a = pl.multiple_of((a // 16) * 16, 16)
        fl_b = pl.multiple_of((b // 16) * 16, 16)
        ca = pl.multiple_of(jnp.where(a == fl_a, a, fl_a + 16), 16)

        @pl.when(a < b)
        def _():
            pltpu.sync_copy(eT_hbm.at[:, pl.ds(fl_a, 16)], fbufh)

        @pl.when((fl_b > fl_a) & (b != fl_b))
        def _():
            pltpu.sync_copy(eT_hbm.at[:, pl.ds(fl_b, 16)], fbuft)

        head_mask = (iota >= a - fl_a) & (iota < jnp.minimum(ca, b) - fl_a)
        tail_mask = (iota < jnp.where(fl_b > fl_a, b - fl_b, 0))

        nfull = jnp.maximum(fl_b - ca, 0)
        n_chunks = (nfull + CW - 1) // CW

        def _cstart(t):
            d_k = ca + t * CW
            return pl.multiple_of(jnp.minimum(d_k, E_LIMIT), 16)

        @pl.when(n_chunks > 0)
        def _():
            pltpu.async_copy(eT_hbm.at[:, pl.ds(_cstart(0), CW)], ebuf0, esem0)

        @pl.when(n_chunks > 1)
        def _():
            pltpu.async_copy(eT_hbm.at[:, pl.ds(_cstart(1), CW)], ebuf1, esem1)

        def _pair(tp, accs):
            for half, (buf, sem) in enumerate(((ebuf0, esem0), (ebuf1, esem1))):
                t = 2 * tp + half
                d_k = ca + t * CW
                c_k = _cstart(t)

                @pl.when(t < n_chunks)
                def _():
                    pltpu.make_async_copy(
                        eT_hbm.at[:, pl.ds(c_k, CW)], buf, sem).wait()

                boff = d_k - c_k
                ng = jnp.maximum(
                    (jnp.minimum(d_k + CW, fl_b) - d_k) // 16, 0)
                nb = ng // UNROLL

                def _blk(i, accs):
                    base = boff + i * (UNROLL * 16)
                    new = list(accs)
                    for u in range(UNROLL):
                        for d in range(EDGE_DIM):
                            new[d] = new[d] + buf[d, pl.ds(base + u * 16, 16)]
                    return tuple(new)


                def _rem(q, accs):
                    off = boff + (nb * UNROLL + q) * 16
                    return tuple(accs[d] + buf[d, pl.ds(off, 16)]
                                 for d in range(EDGE_DIM))


                @pl.when(t + 2 < n_chunks)
                def _():
                    pltpu.async_copy(
                        eT_hbm.at[:, pl.ds(_cstart(t + 2), CW)], buf, sem)
            return accs

        accs = lax.fori_loop(0, (n_chunks + 1) // 2, _pair,
                             tuple(zero16 for _ in range(EDGE_DIM)))

        for d in range(EDGE_DIM):
            obuf[gloc, d, pl.ds(0, 16)] = (
                accs[d]
                + jnp.where(head_mask, fbufh[d, pl.ds(0, 16)], 0.0)
                + jnp.where(tail_mask, fbuft[d, pl.ds(0, 16)], 0.0))
        return _

    lax.fori_loop(0, G_PER_TILE, _graph, None)
    pltpu.sync_copy(obuf,
                    ep_out.at[pl.ds(wid * G_PER_TILE, G_PER_TILE), :, :])


def _segsum_body(nodes_hbm, eT_hbm, nid_hbm, starts_hbm,
                 np_out, ep_out,
                 nbuf0, nbuf1, ebuf0, ebuf1, fbufh, fbuft, obuf, nidxb,
                 startsb, ntrows, ntidx, zrow, sem0, sem1, nacc):
    c = lax.axis_index("c")
    s = lax.axis_index("s")
    wid = c * 16 + s

    n_start = wid * N_CNT + jnp.minimum(wid, N_EXTRA)
    n_cnt = N_CNT + jnp.where(wid < N_EXTRA, 1, 0)

    pltpu.sync_copy(nid_hbm.at[pl.ds(n_start * L, N_MAX * L)], nidxb)
    pltpu.sync_copy(starts_hbm, startsb)

    def _zero_row(i, _):
        zrow[pl.ds(i * 16, 16)] = jnp.zeros((16,), jnp.float32)
        return _
    lax.fori_loop(0, 8, _zero_row, None)
    base = s * (N_GRAPHS // 16)

    def _zero_nacc(i, _):
        pltpu.sync_copy(zrow, nacc.at[base + i])
        return _
    lax.fori_loop(0, N_GRAPHS // 16, _zero_nacc, None)

    plsc.subcore_barrier()

    _node_phase(nodes_hbm, nidxb, nacc, nbuf0, nbuf1, sem0, sem1,
                n_start, n_cnt)

    @pl.when(wid == 30)
    def _():
        pltpu.sync_copy(nodes_hbm.at[pl.ds(N_FULL * L, N_TAIL), :], ntrows)
        pltpu.sync_copy(nid_hbm.at[pl.ds(N_FULL * L, N_TAIL)], ntidx)
        pltpu.sync_copy(ntrows, nacc.at[ntidx], add=True)


    plsc.subcore_barrier()

    rows = N_GRAPHS // 16
    pltpu.sync_copy(nacc.at[pl.ds(s * rows, rows), :],
                    np_out.at[c, pl.ds(s * rows, rows), :])


def _mlp_body(np_ref, ep_ref, gg_ref, w1a_ref, w1b_ref, w1c_ref, b1_ref,
              w2_ref, b2_ref, out_ref):
    ns = np_ref[0] + np_ref[1]
    es = jnp.sum(ep_ref[...], axis=2)
    x = (jnp.dot(gg_ref[...], w1a_ref[...], preferred_element_type=jnp.float32)
         + jnp.dot(ns, w1b_ref[...], preferred_element_type=jnp.float32)
         + jnp.dot(es, w1c_ref[...], preferred_element_type=jnp.float32)
         + b1_ref[...])
    h = jnp.maximum(x, 0.0)
    out_ref[...] = (jnp.dot(h, w2_ref[...], preferred_element_type=jnp.float32)
                    + b2_ref[...])


def kernel(nodes, batch, edges, batch_edges, graph_globals, W1, b1, W2, b2):
    bid = jnp.pad(batch.astype(jnp.int32), (0, N_MAX * L))
    eid = batch_edges.astype(jnp.int32)
    counts = jnp.zeros((N_GRAPHS,), jnp.int32).at[eid].add(1)
    starts = jnp.concatenate(
        [jnp.zeros((1,), jnp.int32), jnp.cumsum(counts)]).astype(jnp.int32)
    starts = jnp.pad(starts, (0, 7))
    edgesT = edges.T

    mesh = plsc.VectorSubcoreMesh(core_axis_name="c", subcore_axis_name="s")
    segsum = pl.kernel(
        _segsum_body,
        out_type=[
            jax.ShapeDtypeStruct((2, N_GRAPHS, NODE_DIM), jnp.float32),
            jax.ShapeDtypeStruct((N_GRAPHS, EDGE_DIM, 16), jnp.float32),
        ],
        mesh=mesh,
        compiler_params=pltpu.CompilerParams(use_tc_tiling_on_sc=False),
        scratch_types=[
            pltpu.VMEM((L, NODE_DIM), jnp.float32),
            pltpu.VMEM((L, NODE_DIM), jnp.float32),
            pltpu.VMEM((EDGE_DIM, CW), jnp.float32),
            pltpu.VMEM((EDGE_DIM, CW), jnp.float32),
            pltpu.VMEM((EDGE_DIM, 16), jnp.float32),
            pltpu.VMEM((EDGE_DIM, 16), jnp.float32),
            pltpu.VMEM((G_PER_TILE, EDGE_DIM, 16), jnp.float32),
            pltpu.VMEM((N_MAX * L,), jnp.int32),
            pltpu.VMEM((520,), jnp.int32),
            pltpu.VMEM((N_TAIL, NODE_DIM), jnp.float32),
            pltpu.VMEM((N_TAIL,), jnp.int32),
            pltpu.VMEM((NODE_DIM,), jnp.float32),
            pltpu.SemaphoreType.DMA,
            pltpu.SemaphoreType.DMA,
            pltpu.VMEM_SHARED((N_GRAPHS, NODE_DIM), jnp.float32),
        ],
    )
    np_part, ep_sum = segsum(nodes, edgesT, bid, starts)

    w1a = lax.slice(W1, (0, 0), (NODE_DIM, HIDDEN))
    w1b = lax.slice(W1, (NODE_DIM, 0), (2 * NODE_DIM, HIDDEN))
    w1c = lax.slice(W1, (2 * NODE_DIM, 0), (2 * NODE_DIM + EDGE_DIM, HIDDEN))

    out = pl.pallas_call(
        _mlp_body,
        out_shape=jax.ShapeDtypeStruct((N_GRAPHS, NODE_DIM), jnp.float32),
    )(np_part, ep_sum, graph_globals, w1a, w1b, w1c,
      b1.reshape(1, HIDDEN), W2, b2.reshape(1, NODE_DIM))
    return out

# --- scband reference (transcript-rebuilt; emitter-appended) ---
"""Pipeline reference for scband-global-block-1855425872040 (READ-ONLY COPY).

The authoritative reference and input builder live on the scoring server;
editing this copy changes nothing except your own understanding.
"""

import jax, jax.numpy as jnp
import numpy as np

N_GRAPHS = 512
N_NODES = 100000
N_EDGES = 1600000
NODE_DIM = 128
EDGE_DIM = 16
GLOBAL_DIM = 128
HIDDEN = 64


def setup_inputs(seed: int = 0) -> dict:
    key = jax.random.key(seed)
    ks = jax.random.split(key, 8)
    nodes = jax.random.normal(ks[0], (N_NODES, NODE_DIM), dtype=jnp.float32)
    batch = jnp.sort(jax.random.randint(ks[1], (N_NODES,), 0, N_GRAPHS)).astype(jnp.int64)
    edges = jax.random.normal(ks[2], (N_EDGES, EDGE_DIM), dtype=jnp.float32)
    batch_edges = jnp.sort(jax.random.randint(ks[3], (N_EDGES,), 0, N_GRAPHS)).astype(jnp.int64)
    graph_globals = jax.random.normal(ks[4], (N_GRAPHS, GLOBAL_DIM), dtype=jnp.float32)
    in_dim = GLOBAL_DIM + NODE_DIM + EDGE_DIM
    W1 = jax.random.normal(ks[5], (in_dim, HIDDEN), dtype=jnp.float32) / np.sqrt(in_dim)
    b1 = jnp.zeros((HIDDEN,), dtype=jnp.float32)
    W2 = jax.random.normal(ks[6], (HIDDEN, GLOBAL_DIM), dtype=jnp.float32) / np.sqrt(HIDDEN)
    b2 = jnp.zeros((GLOBAL_DIM,), dtype=jnp.float32)
    return {"nodes": nodes, "batch": batch, "edges": edges, "batch_edges": batch_edges,
            "graph_globals": graph_globals, "W1": W1, "b1": b1, "W2": W2, "b2": b2}


def reference(nodes, batch, edges, batch_edges, graph_globals, W1, b1, W2, b2):
    # rho_v->u : sum nodes per graph
    nodes_sum = jax.ops.segment_sum(nodes, batch, num_segments=N_GRAPHS)
    # rho_e->u : sum edges per graph
    edges_sum = jax.ops.segment_sum(edges, batch_edges, num_segments=N_GRAPHS)
    # phi_u : MLP([U, nodes_sum, edges_sum])
    x = jnp.concatenate([graph_globals, nodes_sum, edges_sum], axis=1)
    h = jnp.maximum(x @ W1 + b1, 0.0)
    out = h @ W2 + b2
    return out

if __name__ == "__main__":
    import jax
    _d = setup_inputs()
    print(jax.jit(kernel)(*tuple(_d.values())))

</pallas_src>

<mosaic_0001>
#map = affine_map<(d0, d1) -> (0, 0)>
#map1 = affine_map<(d0, d1) -> (0)>
#map2 = affine_map<(d0, d1) -> (0, 0, 0)>
module attributes {stable_mosaic.version = 14 : i64} {
  func.func @_segsum_body(%arg0: i32, %arg1: i32, %arg2: memref<100000x128xf32, #tpu.memory_space<hbm>>, %arg3: memref<16x1600000xf32, #tpu.memory_space<hbm>>, %arg4: memref<103200xi32, #tpu.memory_space<hbm>>, %arg5: memref<520xi32, #tpu.memory_space<hbm>>, %arg6: memref<2x512x128xf32, #tpu.memory_space<hbm>>, %arg7: memref<512x16x16xf32, #tpu.memory_space<hbm>>, %arg8: memref<128x128xf32, #tpu.memory_space<vmem>>, %arg9: memref<128x128xf32, #tpu.memory_space<vmem>>, %arg10: memref<16x2048xf32, #tpu.memory_space<vmem>>, %arg11: memref<16x2048xf32, #tpu.memory_space<vmem>>, %arg12: memref<16x16xf32, #tpu.memory_space<vmem>>, %arg13: memref<16x16xf32, #tpu.memory_space<vmem>>, %arg14: memref<16x16x16xf32, #tpu.memory_space<vmem>>, %arg15: memref<3200xi32, #tpu.memory_space<vmem>>, %arg16: memref<520xi32, #tpu.memory_space<vmem>>, %arg17: memref<32x128xf32, #tpu.memory_space<vmem>>, %arg18: memref<32xi32, #tpu.memory_space<vmem>>, %arg19: memref<128xf32, #tpu.memory_space<vmem>>, %arg20: memref<!tpu.dma_semaphore, #tpu.memory_space<semaphore_mem>>, %arg21: memref<!tpu.dma_semaphore, #tpu.memory_space<semaphore_mem>>, %arg22: memref<512x128xf32, #tpu.memory_space<vmem_shared>>) attributes {dimension_semantics = [#tpu.dimension_semantics<core_parallel>, #tpu.dimension_semantics<subcore_parallel>], iteration_bounds = array<i64: 2, 16>, scalar_prefetch = 0 : i64, scratch_operands = 15 : i64, tpu.core_type = #tpu.core_type<sc_vector_subcore>, window_params = [{transform_indices = #map}, {transform_indices = #map}, {transform_indices = #map1}, {transform_indices = #map1}, {transform_indices = #map2}, {transform_indices = #map2}]} {
    %mul3A = arith.constant 16 : i32
    %mul3A_0 = arith.muli %arg0, %mul3A : i32
    %add3A = arith.addi %mul3A_0, %arg1 : i32
    %mul3A_1 = arith.constant 24 : i32
    %mul3A_2 = arith.muli %add3A, %mul3A_1 : i32
    %min3A = arith.constant 13 : i32
    %min3A_3 = arith.minsi %add3A, %min3A : i32
    %add3A_4 = arith.addi %mul3A_2, %min3A_3 : i32
    %lt3A = arith.constant 13 : i32
    %lt3A_5 = arith.cmpi slt, %add3A, %lt3A : i32
    %jit3A = arith.constant 1 : i32
    %jit3A_6 = arith.constant 0 : i32
    %select_n3A = arith.select %lt3A_5, %jit3A, %jit3A_6 : i32
    %add3A_7 = arith.constant 24 : i32
    %add3A_8 = arith.addi %add3A_7, %select_n3A : i32
    %mul3A_9 = arith.constant 128 : i32
    %mul3A_10 = arith.muli %add3A_4, %mul3A_9 : i32
    "tpu.region"() ({
      %run_scoped3A = tpu.sem_alloc : memref<!tpu.dma_semaphore, #tpu.memory_space<semaphore_mem>>
      %dma_start3A = tpu.memref_slice %arg4[%mul3A_10] : memref<103200xi32, #tpu.memory_space<hbm>> -> memref<3200xi32, #tpu.memory_space<hbm>>
      %dma_start3A_43 = tpu.memref_slice %arg4[%mul3A_10] : memref<103200xi32, #tpu.memory_space<hbm>> -> memref<3200xi32, #tpu.memory_space<hbm>>
      tpu.enqueue_dma source(%dma_start3A_43 : memref<3200xi32, #tpu.memory_space<hbm>>) target(%arg15 : memref<3200xi32, #tpu.memory_space<vmem>>) target_semaphore(%run_scoped3A : memref<!tpu.dma_semaphore, #tpu.memory_space<semaphore_mem>>)
      %dma_wait3A = tpu.memref_slice %arg4[%mul3A_10] : memref<103200xi32, #tpu.memory_space<hbm>> -> memref<3200xi32, #tpu.memory_space<hbm>>
      %dma_wait3A_44 = tpu.memref_slice %arg4[%mul3A_10] : memref<103200xi32, #tpu.memory_space<hbm>> -> memref<3200xi32, #tpu.memory_space<hbm>>
      tpu.wait_dma2 semaphore(%run_scoped3A : memref<!tpu.dma_semaphore, #tpu.memory_space<semaphore_mem>>) src(%dma_wait3A_44 : memref<3200xi32, #tpu.memory_space<hbm>>) dst(%arg15 : memref<3200xi32, #tpu.memory_space<vmem>>)
      tpu.yield
    }) : () -> ()
    "tpu.region"() ({
      %run_scoped3A = tpu.sem_alloc : memref<!tpu.dma_semaphore, #tpu.memory_space<semaphore_mem>>
      tpu.enqueue_dma source(%arg5 : memref<520xi32, #tpu.memory_space<hbm>>) target(%arg16 : memref<520xi32, #tpu.memory_space<vmem>>) target_semaphore(%run_scoped3A : memref<!tpu.dma_semaphore, #tpu.memory_space<semaphore_mem>>)
      tpu.wait_dma2 semaphore(%run_scoped3A : memref<!tpu.dma_semaphore, #tpu.memory_space<semaphore_mem>>) src(%arg5 : memref<520xi32, #tpu.memory_space<hbm>>) dst(%arg16 : memref<520xi32, #tpu.memory_space<vmem>>)
      tpu.yield
    }) : () -> ()
    %scan3A = arith.constant 0 : i32
    %scan3A_11 = arith.constant 8 : i32
    %scan3A_12 = arith.addi %scan3A, %scan3A_11 : i32
    %scan3A_13 = arith.constant 1 : i32
    scf.for %scan3A_43 = %scan3A to %scan3A_12 step %scan3A_13  : i32 {
      %broadcast_in_dim3A = arith.constant 0.000000e+00 : f32
      %broadcast_in_dim3A_44 = vector.broadcast %broadcast_in_dim3A : f32 to vector<16xf32>
      %mul3A_45 = arith.constant 16 : i32
      %mul3A_46 = arith.muli %scan3A_43, %mul3A_45 : i32
      %swap3A = arith.index_cast %mul3A_46 : i32 to index
      %swap3A_47 = tpu.vector_load %arg19[%swap3A] {strides = array<i32>} : memref<128xf32, #tpu.memory_space<vmem>>, vector<16xf32>,
      %swap3A_48 = vector.shape_cast %swap3A_47 : vector<16xf32> to vector<16xf32>
      %swap3A_49 = vector.shape_cast %broadcast_in_dim3A_44 : vector<16xf32> to vector<16xf32>
      tpu.vector_store %arg19[%swap3A], %swap3A_49 {strides = array<i32>} : memref<128xf32, #tpu.memory_space<vmem>>, vector<16xf32>,
    }
    %scan3A_14 = arith.constant 8 : i32
    %mul3A_15 = arith.constant 32 : i32
    %mul3A_16 = arith.muli %arg1, %mul3A_15 : i32
    %scan3A_17 = arith.constant 0 : i32
    %scan3A_18 = arith.constant 32 : i32
    %scan3A_19 = arith.addi %scan3A_17, %scan3A_18 : i32
    %scan3A_20 = arith.constant 1 : i32
    scf.for %scan3A_43 = %scan3A_17 to %scan3A_19 step %scan3A_20  : i32 {
      %add3A_44 = arith.addi %mul3A_16, %scan3A_43 : i32
      "tpu.region"() ({
        %run_scoped3A = tpu.sem_alloc : memref<!tpu.dma_semaphore, #tpu.memory_space<semaphore_mem>>
        %dma_start3A = arith.constant 0 : i32
        %dma_start3A_45 = tpu.memref_slice %arg22[%add3A_44, %dma_start3A] : memref<512x128xf32, #tpu.memory_space<vmem_shared>> -> memref<1x128xf32, #tpu.memory_space<vmem_shared>>
        %dma_start3A_46 = tpu.memref_squeeze %dma_start3A_45 : memref<1x128xf32, #tpu.memory_space<vmem_shared>> -> memref<128xf32, #tpu.memory_space<vmem_shared>>
        %dma_start3A_47 = arith.constant 0 : i32
        %dma_start3A_48 = tpu.memref_slice %arg22[%add3A_44, %dma_start3A_47] : memref<512x128xf32, #tpu.memory_space<vmem_shared>> -> memref<1x128xf32, #tpu.memory_space<vmem_shared>>
        %dma_start3A_49 = tpu.memref_squeeze %dma_start3A_48 : memref<1x128xf32, #tpu.memory_space<vmem_shared>> -> memref<128xf32, #tpu.memory_space<vmem_shared>>
        tpu.enqueue_dma source(%arg19 : memref<128xf32, #tpu.memory_space<vmem>>) target(%dma_start3A_49 : memref<128xf32, #tpu.memory_space<vmem_shared>>) target_semaphore(%run_scoped3A : memref<!tpu.dma_semaphore, #tpu.memory_space<semaphore_mem>>)
        %dma_wait3A = arith.constant 0 : i32
        %dma_wait3A_50 = tpu.memref_slice %arg22[%add3A_44, %dma_wait3A] : memref<512x128xf32, #tpu.memory_space<vmem_shared>> -> memref<1x128xf32, #tpu.memory_space<vmem_shared>>
        %dma_wait3A_51 = tpu.memref_squeeze %dma_wait3A_50 : memref<1x128xf32, #tpu.memory_space<vmem_shared>> -> memref<128xf32, #tpu.memory_space<vmem_shared>>
        %dma_wait3A_52 = arith.constant 0 : i32
        %dma_wait3A_53 = tpu.memref_slice %arg22[%add3A_44, %dma_wait3A_52] : memref<512x128xf32, #tpu.memory_space<vmem_shared>> -> memref<1x128xf32, #tpu.memory_space<vmem_shared>>
        %dma_wait3A_54 = tpu.memref_squeeze %dma_wait3A_53 : memref<1x128xf32, #tpu.memory_space<vmem_shared>> -> memref<128xf32, #tpu.memory_space<vmem_shared>>
        tpu.wait_dma2 semaphore(%run_scoped3A : memref<!tpu.dma_semaphore, #tpu.memory_space<semaphore_mem>>) src(%arg19 : memref<128xf32, #tpu.memory_space<vmem>>) dst(%dma_wait3A_54 : memref<128xf32, #tpu.memory_space<vmem_shared>>)
        tpu.yield
      }) : () -> ()
    }
    %scan3A_21 = arith.constant 32 : i32
    %barrier3A = arith.constant 0 : index
    tpu.barrier barrier_id(%barrier3A)
    %gt3A = arith.constant 0 : i32
    %gt3A_22 = arith.cmpi sgt, %add3A_8, %gt3A : i32
    %convert_element_type3A = arith.extui %gt3A_22 : i1 to i32
    %cond3A = arith.constant 0 : i32
    %cond3A_23 = arith.cmpi ne, %convert_element_type3A, %cond3A : i32
    scf.if %cond3A_23 {
      %mul3A_43 = arith.constant 128 : i32
      %mul3A_44 = arith.muli %add3A_4, %mul3A_43 : i32
      %dma_start3A = arith.constant 0 : i32
      %dma_start3A_45 = tpu.memref_slice %arg2[%mul3A_44, %dma_start3A] : memref<100000x128xf32, #tpu.memory_space<hbm>> -> memref<128x128xf32, #tpu.memory_space<hbm>>
      %dma_start3A_46 = arith.constant 0 : i32
      %dma_start3A_47 = tpu.memref_slice %arg2[%mul3A_44, %dma_start3A_46] : memref<100000x128xf32, #tpu.memory_space<hbm>> -> memref<128x128xf32, #tpu.memory_space<hbm>>
      tpu.enqueue_dma source(%dma_start3A_47 : memref<128x128xf32, #tpu.memory_space<hbm>>) target(%arg8 : memref<128x128xf32, #tpu.memory_space<vmem>>) target_semaphore(%arg20 : memref<!tpu.dma_semaphore, #tpu.memory_space<semaphore_mem>>)
    } else {
    }
    %gt3A_24 = arith.constant 1 : i32
    %gt3A_25 = arith.cmpi sgt, %add3A_8, %gt3A_24 : i32
    %convert_element_type3A_26 = arith.extui %gt3A_25 : i1 to i32
    %cond3A_27 = arith.constant 0 : i32
    %cond3A_28 = arith.cmpi ne, %convert_element_type3A_26, %cond3A_27 : i32
    scf.if %cond3A_28 {
      %add3A_43 = arith.constant 1 : i32
      %add3A_44 = arith.addi %add3A_4, %add3A_43 : i32
      %mul3A_45 = arith.constant 128 : i32
      %mul3A_46 = arith.muli %add3A_44, %mul3A_45 : i32
      %dma_start3A = arith.constant 0 : i32
      %dma_start3A_47 = tpu.memref_slice %arg2[%mul3A_46, %dma_start3A] : memref<100000x128xf32, #tpu.memory_space<hbm>> -> memref<128x128xf32, #tpu.memory_space<hbm>>
      %dma_start3A_48 = arith.constant 0 : i32
      %dma_start3A_49 = tpu.memref_slice %arg2[%mul3A_46, %dma_start3A_48] : memref<100000x128xf32, #tpu.memory_space<hbm>> -> memref<128x128xf32, #tpu.memory_space<hbm>>
      tpu.enqueue_dma source(%dma_start3A_49 : memref<128x128xf32, #tpu.memory_space<hbm>>) target(%arg9 : memref<128x128xf32, #tpu.memory_space<vmem>>) target_semaphore(%arg21 : memref<!tpu.dma_semaphore, #tpu.memory_space<semaphore_mem>>)
    } else {
    }
    %scan3A_29 = arith.constant 0 : i32
    %scan3A_30 = arith.constant 13 : i32
    %scan3A_31 = arith.addi %scan3A_29, %scan3A_30 : i32
    %scan3A_32 = arith.constant 1 : i32
    scf.for %scan3A_43 = %scan3A_29 to %scan3A_31 step %scan3A_32  : i32 {
      %mul3A_44 = arith.constant 2 : i32
      %mul3A_45 = arith.muli %mul3A_44, %scan3A_43 : i32
      %add3A_46 = arith.constant 0 : i32
      %add3A_47 = arith.addi %mul3A_45, %add3A_46 : i32
      %lt3A_48 = arith.cmpi slt, %add3A_47, %add3A_8 : i32
      %convert_element_type3A_49 = arith.extui %lt3A_48 : i1 to i32
      %cond3A_50 = arith.constant 0 : i32
      %cond3A_51 = arith.cmpi ne, %convert_element_type3A_49, %cond3A_50 : i32
      scf.if %cond3A_51 {
        %add3A_60 = arith.addi %add3A_4, %add3A_47 : i32
        %mul3A_61 = arith.constant 128 : i32
        %mul3A_62 = arith.muli %add3A_60, %mul3A_61 : i32
        %dma_wait3A = arith.constant 0 : i32
        %dma_wait3A_63 = tpu.memref_slice %arg2[%mul3A_62, %dma_wait3A] : memref<100000x128xf32, #tpu.memory_space<hbm>> -> memref<128x128xf32, #tpu.memory_space<hbm>>
        %dma_wait3A_64 = arith.constant 0 : i32
        %dma_wait3A_65 = tpu.memref_slice %arg2[%mul3A_62, %dma_wait3A_64] : memref<100000x128xf32, #tpu.memory_space<hbm>> -> memref<128x128xf32, #tpu.memory_space<hbm>>
        tpu.wait_dma2 semaphore(%arg20 : memref<!tpu.dma_semaphore, #tpu.memory_space<semaphore_mem>>) src(%dma_wait3A_65 : memref<128x128xf32, #tpu.memory_space<hbm>>) dst(%arg8 : memref<128x128xf32, #tpu.memory_space<vmem>>)
        %mul3A_66 = arith.constant 128 : i32
        %mul3A_67 = arith.muli %add3A_47, %mul3A_66 : i32
        "tpu.region"() ({
          %run_scoped3A = tpu.sem_alloc : memref<!tpu.dma_semaphore, #tpu.memory_space<semaphore_mem>>
          %dma_start3A = tpu.memref_slice %arg15[%mul3A_67] : memref<3200xi32, #tpu.memory_space<vmem>> -> memref<128xi32, #tpu.memory_space<vmem>>
          %dma_start3A_74 = arith.constant 0 : i32
          %dma_start3A_75 = arith.constant 0 : i32
          %dma_start3A_76 = tpu.memref_slice %arg22[%dma_start3A_74, %dma_start3A_75] : memref<512x128xf32, #tpu.memory_space<vmem_shared>> -> memref<512x128xf32, #tpu.memory_space<vmem_shared>>
          tpu.enqueue_indirect_dma source(%arg8 : memref<128x128xf32, #tpu.memory_space<vmem>>) target(%dma_start3A_76 : memref<512x128xf32, #tpu.memory_space<vmem_shared>>) offsets(%dma_start3A : memref<128xi32, #tpu.memory_space<vmem>>) semaphore(%run_scoped3A : memref<!tpu.dma_semaphore, #tpu.memory_space<semaphore_mem>>) {add = true}
          %dma_wait3A_77 = tpu.memref_slice %arg15[%mul3A_67] : memref<3200xi32, #tpu.memory_space<vmem>> -> memref<128xi32, #tpu.memory_space<vmem>>
          %dma_wait3A_78 = arith.constant 0 : i32
          %dma_wait3A_79 = arith.constant 0 : i32
          %dma_wait3A_80 = tpu.memref_slice %arg22[%dma_wait3A_78, %dma_wait3A_79] : memref<512x128xf32, #tpu.memory_space<vmem_shared>> -> memref<512x128xf32, #tpu.memory_space<vmem_shared>>
          tpu.wait_indirect_dma semaphore(%run_scoped3A : memref<!tpu.dma_semaphore, #tpu.memory_space<semaphore_mem>>) src(%arg8 : memref<128x128xf32, #tpu.memory_space<vmem>>) dst(%dma_wait3A_80 : memref<512x128xf32, #tpu.memory_space<vmem_shared>>)
          tpu.yield
        }) : () -> ()
        %add3A_68 = arith.constant 2 : i32
        %add3A_69 = arith.addi %add3A_47, %add3A_68 : i32
        %lt3A_70 = arith.cmpi slt, %add3A_69, %add3A_8 : i32
        %convert_element_type3A_71 = arith.extui %lt3A_70 : i1 to i32
        %cond3A_72 = arith.constant 0 : i32
        %cond3A_73 = arith.cmpi ne, %convert_element_type3A_71, %cond3A_72 : i32
        scf.if %cond3A_73 {
          %add3A_74 = arith.addi %add3A_4, %add3A_47 : i32
          %add3A_75 = arith.constant 2 : i32
          %add3A_76 = arith.addi %add3A_74, %add3A_75 : i32
          %mul3A_77 = arith.constant 128 : i32
          %mul3A_78 = arith.muli %add3A_76, %mul3A_77 : i32
          %dma_start3A = arith.constant 0 : i32
          %dma_start3A_79 = tpu.memref_slice %arg2[%mul3A_78, %dma_start3A] : memref<100000x128xf32, #tpu.memory_space<hbm>> -> memref<128x128xf32, #tpu.memory_space<hbm>>
          %dma_start3A_80 = arith.constant 0 : i32
          %dma_start3A_81 = tpu.memref_slice %arg2[%mul3A_78, %dma_start3A_80] : memref<100000x128xf32, #tpu.memory_space<hbm>> -> memref<128x128xf32, #tpu.memory_space<hbm>>
          tpu.enqueue_dma source(%dma_start3A_81 : memref<128x128xf32, #tpu.memory_space<hbm>>) target(%arg8 : memref<128x128xf32, #tpu.memory_space<vmem>>) target_semaphore(%arg20 : memref<!tpu.dma_semaphore, #tpu.memory_space<semaphore_mem>>)
        } else {
        }
      } else {
      }
      %mul3A_52 = arith.constant 2 : i32
      %mul3A_53 = arith.muli %mul3A_52, %scan3A_43 : i32
      %add3A_54 = arith.constant 1 : i32
      %add3A_55 = arith.addi %mul3A_53, %add3A_54 : i32
      %lt3A_56 = arith.cmpi slt, %add3A_55, %add3A_8 : i32
      %convert_element_type3A_57 = arith.extui %lt3A_56 : i1 to i32
      %cond3A_58 = arith.constant 0 : i32
      %cond3A_59 = arith.cmpi ne, %convert_element_type3A_57, %cond3A_58 : i32
      scf.if %cond3A_59 {
        %add3A_60 = arith.addi %add3A_4, %add3A_55 : i32
        %mul3A_61 = arith.constant 128 : i32
        %mul3A_62 = arith.muli %add3A_60, %mul3A_61 : i32
        %dma_wait3A = arith.constant 0 : i32
        %dma_wait3A_63 = tpu.memref_slice %arg2[%mul3A_62, %dma_wait3A] : memref<100000x128xf32, #tpu.memory_space<hbm>> -> memref<128x128xf32, #tpu.memory_space<hbm>>
        %dma_wait3A_64 = arith.constant 0 : i32
        %dma_wait3A_65 = tpu.memref_slice %arg2[%mul3A_62, %dma_wait3A_64] : memref<100000x128xf32, #tpu.memory_space<hbm>> -> memref<128x128xf32, #tpu.memory_space<hbm>>
        tpu.wait_dma2 semaphore(%arg21 : memref<!tpu.dma_semaphore, #tpu.memory_space<semaphore_mem>>) src(%dma_wait3A_65 : memref<128x128xf32, #tpu.memory_space<hbm>>) dst(%arg9 : memref<128x128xf32, #tpu.memory_space<vmem>>)
        %mul3A_66 = arith.constant 128 : i32
        %mul3A_67 = arith.muli %add3A_55, %mul3A_66 : i32
        "tpu.region"() ({
          %run_scoped3A = tpu.sem_alloc : memref<!tpu.dma_semaphore, #tpu.memory_space<semaphore_mem>>
          %dma_start3A = tpu.memref_slice %arg15[%mul3A_67] : memref<3200xi32, #tpu.memory_space<vmem>> -> memref<128xi32, #tpu.memory_space<vmem>>
          %dma_start3A_74 = arith.constant 0 : i32
          %dma_start3A_75 = arith.constant 0 : i32
          %dma_start3A_76 = tpu.memref_slice %arg22[%dma_start3A_74, %dma_start3A_75] : memref<512x128xf32, #tpu.memory_space<vmem_shared>> -> memref<512x128xf32, #tpu.memory_space<vmem_shared>>
          tpu.enqueue_indirect_dma source(%arg9 : memref<128x128xf32, #tpu.memory_space<vmem>>) target(%dma_start3A_76 : memref<512x128xf32, #tpu.memory_space<vmem_shared>>) offsets(%dma_start3A : memref<128xi32, #tpu.memory_space<vmem>>) semaphore(%run_scoped3A : memref<!tpu.dma_semaphore, #tpu.memory_space<semaphore_mem>>) {add = true}
          %dma_wait3A_77 = tpu.memref_slice %arg15[%mul3A_67] : memref<3200xi32, #tpu.memory_space<vmem>> -> memref<128xi32, #tpu.memory_space<vmem>>
          %dma_wait3A_78 = arith.constant 0 : i32
          %dma_wait3A_79 = arith.constant 0 : i32
          %dma_wait3A_80 = tpu.memref_slice %arg22[%dma_wait3A_78, %dma_wait3A_79] : memref<512x128xf32, #tpu.memory_space<vmem_shared>> -> memref<512x128xf32, #tpu.memory_space<vmem_shared>>
          tpu.wait_indirect_dma semaphore(%run_scoped3A : memref<!tpu.dma_semaphore, #tpu.memory_space<semaphore_mem>>) src(%arg9 : memref<128x128xf32, #tpu.memory_space<vmem>>) dst(%dma_wait3A_80 : memref<512x128xf32, #tpu.memory_space<vmem_shared>>)
          tpu.yield
        }) : () -> ()
        %add3A_68 = arith.constant 2 : i32
        %add3A_69 = arith.addi %add3A_55, %add3A_68 : i32
        %lt3A_70 = arith.cmpi slt, %add3A_69, %add3A_8 : i32
        %convert_element_type3A_71 = arith.extui %lt3A_70 : i1 to i32
        %cond3A_72 = arith.constant 0 : i32
        %cond3A_73 = arith.cmpi ne, %convert_element_type3A_71, %cond3A_72 : i32
        scf.if %cond3A_73 {
          %add3A_74 = arith.addi %add3A_4, %add3A_55 : i32
          %add3A_75 = arith.constant 2 : i32
          %add3A_76 = arith.addi %add3A_74, %add3A_75 : i32
          %mul3A_77 = arith.constant 128 : i32
          %mul3A_78 = arith.muli %add3A_76, %mul3A_77 : i32
          %dma_start3A = arith.constant 0 : i32
          %dma_start3A_79 = tpu.memref_slice %arg2[%mul3A_78, %dma_start3A] : memref<100000x128xf32, #tpu.memory_space<hbm>> -> memref<128x128xf32, #tpu.memory_space<hbm>>
          %dma_start3A_80 = arith.constant 0 : i32
          %dma_start3A_81 = tpu.memref_slice %arg2[%mul3A_78, %dma_start3A_80] : memref<100000x128xf32, #tpu.memory_space<hbm>> -> memref<128x128xf32, #tpu.memory_space<hbm>>
          tpu.enqueue_dma source(%dma_start3A_81 : memref<128x128xf32, #tpu.memory_space<hbm>>) target(%arg9 : memref<128x128xf32, #tpu.memory_space<vmem>>) target_semaphore(%arg21 : memref<!tpu.dma_semaphore, #tpu.memory_space<semaphore_mem>>)
        } else {
        }
      } else {
      }
    }
    %scan3A_33 = arith.constant 13 : i32
    %eq3A = arith.constant 30 : i32
    %eq3A_34 = arith.cmpi eq, %add3A, %eq3A : i32
    %convert_element_type3A_35 = arith.extui %eq3A_34 : i1 to i32
    %cond3A_36 = arith.constant 0 : i32
    %cond3A_37 = arith.cmpi ne, %convert_element_type3A_35, %cond3A_36 : i32
    scf.if %cond3A_37 {
      "tpu.region"() ({
        %run_scoped3A = tpu.sem_alloc : memref<!tpu.dma_semaphore, #tpu.memory_space<semaphore_mem>>
        %dma_start3A = arith.constant 99968 : i32
        %dma_start3A_43 = arith.constant 0 : i32
        %dma_start3A_44 = tpu.memref_slice %arg2[%dma_start3A, %dma_start3A_43] : memref<100000x128xf32, #tpu.memory_space<hbm>> -> memref<32x128xf32, #tpu.memory_space<hbm>>
        %dma_start3A_45 = arith.constant 99968 : i32
        %dma_start3A_46 = arith.constant 0 : i32
        %dma_start3A_47 = tpu.memref_slice %arg2[%dma_start3A_45, %dma_start3A_46] : memref<100000x128xf32, #tpu.memory_space<hbm>> -> memref<32x128xf32, #tpu.memory_space<hbm>>
        tpu.enqueue_dma source(%dma_start3A_47 : memref<32x128xf32, #tpu.memory_space<hbm>>) target(%arg17 : memref<32x128xf32, #tpu.memory_space<vmem>>) target_semaphore(%run_scoped3A : memref<!tpu.dma_semaphore, #tpu.memory_space<semaphore_mem>>)
        %dma_wait3A = arith.constant 99968 : i32
        %dma_wait3A_48 = arith.constant 0 : i32
        %dma_wait3A_49 = tpu.memref_slice %arg2[%dma_wait3A, %dma_wait3A_48] : memref<100000x128xf32, #tpu.memory_space<hbm>> -> memref<32x128xf32, #tpu.memory_space<hbm>>
        %dma_wait3A_50 = arith.constant 99968 : i32
        %dma_wait3A_51 = arith.constant 0 : i32
        %dma_wait3A_52 = tpu.memref_slice %arg2[%dma_wait3A_50, %dma_wait3A_51] : memref<100000x128xf32, #tpu.memory_space<hbm>> -> memref<32x128xf32, #tpu.memory_space<hbm>>
        tpu.wait_dma2 semaphore(%run_scoped3A : memref<!tpu.dma_semaphore, #tpu.memory_space<semaphore_mem>>) src(%dma_wait3A_52 : memref<32x128xf32, #tpu.memory_space<hbm>>) dst(%arg17 : memref<32x128xf32, #tpu.memory_space<vmem>>)
        tpu.yield
      }) : () -> ()
      "tpu.region"() ({
        %run_scoped3A = tpu.sem_alloc : memref<!tpu.dma_semaphore, #tpu.memory_space<semaphore_mem>>
        %dma_start3A = arith.constant 99968 : i32
        %dma_start3A_43 = tpu.memref_slice %arg4[%dma_start3A] : memref<103200xi32, #tpu.memory_space<hbm>> -> memref<32xi32, #tpu.memory_space<hbm>>
        %dma_start3A_44 = arith.constant 99968 : i32
        %dma_start3A_45 = tpu.memref_slice %arg4[%dma_start3A_44] : memref<103200xi32, #tpu.memory_space<hbm>> -> memref<32xi32, #tpu.memory_space<hbm>>
        tpu.enqueue_dma source(%dma_start3A_45 : memref<32xi32, #tpu.memory_space<hbm>>) target(%arg18 : memref<32xi32, #tpu.memory_space<vmem>>) target_semaphore(%run_scoped3A : memref<!tpu.dma_semaphore, #tpu.memory_space<semaphore_mem>>)
        %dma_wait3A = arith.constant 99968 : i32
        %dma_wait3A_46 = tpu.memref_slice %arg4[%dma_wait3A] : memref<103200xi32, #tpu.memory_space<hbm>> -> memref<32xi32, #tpu.memory_space<hbm>>
        %dma_wait3A_47 = arith.constant 99968 : i32
        %dma_wait3A_48 = tpu.memref_slice %arg4[%dma_wait3A_47] : memref<103200xi32, #tpu.memory_space<hbm>> -> memref<32xi32, #tpu.memory_space<hbm>>
        tpu.wait_dma2 semaphore(%run_scoped3A : memref<!tpu.dma_semaphore, #tpu.memory_space<semaphore_mem>>) src(%dma_wait3A_48 : memref<32xi32, #tpu.memory_space<hbm>>) dst(%arg18 : memref<32xi32, #tpu.memory_space<vmem>>)
        tpu.yield
      }) : () -> ()
      "tpu.region"() ({
        %run_scoped3A = tpu.sem_alloc : memref<!tpu.dma_semaphore, #tpu.memory_space<semaphore_mem>>
        %dma_start3A = arith.constant 0 : i32
        %dma_start3A_43 = arith.constant 0 : i32
        %dma_start3A_44 = tpu.memref_slice %arg22[%dma_start3A, %dma_start3A_43] : memref<512x128xf32, #tpu.memory_space<vmem_shared>> -> memref<512x128xf32, #tpu.memory_space<vmem_shared>>
        tpu.enqueue_indirect_dma source(%arg17 : memref<32x128xf32, #tpu.memory_space<vmem>>) target(%dma_start3A_44 : memref<512x128xf32, #tpu.memory_space<vmem_shared>>) offsets(%arg18 : memref<32xi32, #tpu.memory_space<vmem>>) semaphore(%run_scoped3A : memref<!tpu.dma_semaphore, #tpu.memory_space<semaphore_mem>>) {add = true}
        %dma_wait3A = arith.constant 0 : i32
        %dma_wait3A_45 = arith.constant 0 : i32
        %dma_wait3A_46 = tpu.memref_slice %arg22[%dma_wait3A, %dma_wait3A_45] : memref<512x128xf32, #tpu.memory_space<vmem_shared>> -> memref<512x128xf32, #tpu.memory_space<vmem_shared>>
        tpu.wait_indirect_dma semaphore(%run_scoped3A : memref<!tpu.dma_semaphore, #tpu.memory_space<semaphore_mem>>) src(%arg17 : memref<32x128xf32, #tpu.memory_space<vmem>>) dst(%dma_wait3A_46 : memref<512x128xf32, #tpu.memory_space<vmem_shared>>)
        tpu.yield
      }) : () -> ()
    } else {
    }
    %barrier3A_38 = arith.constant 0 : index
    tpu.barrier barrier_id(%barrier3A_38)
    %mul3A_39 = arith.constant 32 : i32
    %mul3A_40 = arith.muli %arg1, %mul3A_39 : i32
    %mul3A_41 = arith.constant 32 : i32
    %mul3A_42 = arith.muli %arg1, %mul3A_41 : i32
    "tpu.region"() ({
      %run_scoped3A = tpu.sem_alloc : memref<!tpu.dma_semaphore, #tpu.memory_space<semaphore_mem>>
      %dma_start3A = arith.constant 0 : i32
      %dma_start3A_43 = tpu.memref_slice %arg6[%arg0, %mul3A_42, %dma_start3A] : memref<2x512x128xf32, #tpu.memory_space<hbm>> -> memref<1x32x128xf32, #tpu.memory_space<hbm>>
      %dma_start3A_44 = tpu.memref_squeeze %dma_start3A_43 : memref<1x32x128xf32, #tpu.memory_space<hbm>> -> memref<32x128xf32, #tpu.memory_space<hbm>>
      %dma_start3A_45 = arith.constant 0 : i32
      %dma_start3A_46 = tpu.memref_slice %arg22[%mul3A_40, %dma_start3A_45] : memref<512x128xf32, #tpu.memory_space<vmem_shared>> -> memref<32x128xf32, #tpu.memory_space<vmem_shared>>
      tpu.enqueue_dma source(%dma_start3A_46 : memref<32x128xf32, #tpu.memory_space<vmem_shared>>) target(%dma_start3A_44 : memref<32x128xf32, #tpu.memory_space<hbm>>) target_semaphore(%run_scoped3A : memref<!tpu.dma_semaphore, #tpu.memory_space<semaphore_mem>>)
      %dma_wait3A = arith.constant 0 : i32
      %dma_wait3A_47 = tpu.memref_slice %arg6[%arg0, %mul3A_42, %dma_wait3A] : memref<2x512x128xf32, #tpu.memory_space<hbm>> -> memref<1x32x128xf32, #tpu.memory_space<hbm>>
      %dma_wait3A_48 = tpu.memref_squeeze %dma_wait3A_47 : memref<1x32x128xf32, #tpu.memory_space<hbm>> -> memref<32x128xf32, #tpu.memory_space<hbm>>
      %dma_wait3A_49 = arith.constant 0 : i32
      %dma_wait3A_50 = tpu.memref_slice %arg22[%mul3A_40, %dma_wait3A_49] : memref<512x128xf32, #tpu.memory_space<vmem_shared>> -> memref<32x128xf32, #tpu.memory_space<vmem_shared>>
      tpu.wait_dma2 semaphore(%run_scoped3A : memref<!tpu.dma_semaphore, #tpu.memory_space<semaphore_mem>>) src(%dma_wait3A_50 : memref<32x128xf32, #tpu.memory_space<vmem_shared>>) dst(%dma_wait3A_48 : memref<32x128xf32, #tpu.memory_space<hbm>>)
      tpu.yield
    }) : () -> ()
    return
  }
}

module attributes {stable_mosaic.version = 14 : i64} {
  func.func @_mlp_body(%arg0: memref<2x512x128xf32, #tpu.memory_space<vmem>>, %arg1: memref<512x16x16xf32, #tpu.memory_space<vmem>>, %arg2: memref<512x128xf32, #tpu.memory_space<vmem>>, %arg3: memref<128x64xf32, #tpu.memory_space<vmem>>, %arg4: memref<128x64xf32, #tpu.memory_space<vmem>>, %arg5: memref<16x64xf32, #tpu.memory_space<vmem>>, %arg6: memref<1x64xf32, #tpu.memory_space<vmem>>, %arg7: memref<64x128xf32, #tpu.memory_space<vmem>>, %arg8: memref<1x128xf32, #tpu.memory_space<vmem>>, %arg9: memref<512x128xf32, #tpu.memory_space<vmem>>) attributes {dimension_semantics = [], scalar_prefetch = 0 : i64, scratch_operands = 0 : i64, tpu.core_type = #tpu.core_type<tc>} {
    %get3A = arith.constant 0 : index
    %get3A_0 = arith.constant 0 : index
    %get3A_1 = arith.constant 0 : index
    %get3A_2 = vector.load %arg0[%get3A, %get3A_0, %get3A_1] : memref<2x512x128xf32, #tpu.memory_space<vmem>>, vector<1x512x128xf32>
    %get3A_3 = vector.shape_cast %get3A_2 : vector<1x512x128xf32> to vector<512x128xf32>
    %get3A_4 = arith.constant 1 : index
    %get3A_5 = arith.constant 0 : index
    %get3A_6 = arith.constant 0 : index
    %get3A_7 = vector.load %arg0[%get3A_4, %get3A_5, %get3A_6] : memref<2x512x128xf32, #tpu.memory_space<vmem>>, vector<1x512x128xf32>
    %get3A_8 = vector.shape_cast %get3A_7 : vector<1x512x128xf32> to vector<512x128xf32>
    %add3A = arith.addf %get3A_3, %get3A_8 : vector<512x128xf32>
    %get3A_9 = arith.constant 0 : index
    %get3A_10 = arith.constant 0 : index
    %get3A_11 = arith.constant 0 : index
    %get3A_12 = vector.load %arg1[%get3A_9, %get3A_10, %get3A_11] : memref<512x16x16xf32, #tpu.memory_space<vmem>>, vector<512x16x16xf32>
    %reduce_sum3A = arith.constant dense<0.000000e+00> : vector<512x16xf32>
    %reduce_sum3A_13 = vector.multi_reduction <add>, %get3A_12, %reduce_sum3A [2] : vector<512x16x16xf32> to vector<512x16xf32>
    %get3A_14 = arith.constant 0 : index
    %get3A_15 = arith.constant 0 : index
    %get3A_16 = vector.load %arg2[%get3A_14, %get3A_15] : memref<512x128xf32, #tpu.memory_space<vmem>>, vector<512x128xf32>
    %get3A_17 = arith.constant 0 : index
    %get3A_18 = arith.constant 0 : index
    %get3A_19 = vector.load %arg3[%get3A_17, %get3A_18] : memref<128x64xf32, #tpu.memory_space<vmem>>, vector<128x64xf32>
    %dot_general3A = arith.constant dense<0.000000e+00> : vector<512x64xf32>
    %dot_general3A_20 = tpu.matmul %get3A_16, %get3A_19, %dot_general3A {dimension_numbers = #tpu.dot_dimension_numbers<[1], [0], [0], [1], [0, 0, 1, 1], [], []>, transpose_lhs_hint = false} : vector<512x128xf32>, vector<128x64xf32>, vector<512x64xf32> -> vector<512x64xf32>
    %get3A_21 = arith.constant 0 : index
    %get3A_22 = arith.constant 0 : index
    %get3A_23 = vector.load %arg4[%get3A_21, %get3A_22] : memref<128x64xf32, #tpu.memory_space<vmem>>, vector<128x64xf32>
    %dot_general3A_24 = arith.constant dense<0.000000e+00> : vector<512x64xf32>
    %dot_general3A_25 = tpu.matmul %add3A, %get3A_23, %dot_general3A_24 {dimension_numbers = #tpu.dot_dimension_numbers<[1], [0], [0], [1], [0, 0, 1, 1], [], []>, transpose_lhs_hint = false} : vector<512x128xf32>, vector<128x64xf32>, vector<512x64xf32> -> vector<512x64xf32>
    %add3A_26 = arith.addf %dot_general3A_20, %dot_general3A_25 : vector<512x64xf32>
    %get3A_27 = arith.constant 0 : index
    %get3A_28 = arith.constant 0 : index
    %get3A_29 = vector.load %arg5[%get3A_27, %get3A_28] : memref<16x64xf32, #tpu.memory_space<vmem>>, vector<16x64xf32>
    %dot_general3A_30 = arith.constant dense<0.000000e+00> : vector<512x64xf32>
    %dot_general3A_31 = tpu.matmul %reduce_sum3A_13, %get3A_29, %dot_general3A_30 {dimension_numbers = #tpu.dot_dimension_numbers<[1], [0], [0], [1], [0, 0, 1, 1], [], []>, transpose_lhs_hint = false} : vector<512x16xf32>, vector<16x64xf32>, vector<512x64xf32> -> vector<512x64xf32>
    %add3A_32 = arith.addf %add3A_26, %dot_general3A_31 : vector<512x64xf32>
    %get3A_33 = arith.constant 0 : index
    %get3A_34 = arith.constant 0 : index
    %get3A_35 = vector.load %arg6[%get3A_33, %get3A_34] : memref<1x64xf32, #tpu.memory_space<vmem>>, vector<1x64xf32>
    %add3A_36 = vector.broadcast %get3A_35 : vector<1x64xf32> to vector<512x64xf32>
    %add3A_37 = arith.addf %add3A_32, %add3A_36 : vector<512x64xf32>
    %max3A = arith.constant 0.000000e+00 : f32
    %max3A_38 = vector.broadcast %max3A : f32 to vector<512x64xf32>
    %max3A_39 = arith.maximumf %add3A_37, %max3A_38 : vector<512x64xf32>
    %get3A_40 = arith.constant 0 : index
    %get3A_41 = arith.constant 0 : index
    %get3A_42 = vector.load %arg7[%get3A_40, %get3A_41] : memref<64x128xf32, #tpu.memory_space<vmem>>, vector<64x128xf32>
    %dot_general3A_43 = arith.constant dense<0.000000e+00> : vector<512x128xf32>
    %dot_general3A_44 = tpu.matmul %max3A_39, %get3A_42, %dot_general3A_43 {dimension_numbers = #tpu.dot_dimension_numbers<[1], [0], [0], [1], [0, 0, 1, 1], [], []>, transpose_lhs_hint = false} : vector<512x64xf32>, vector<64x128xf32>, vector<512x128xf32> -> vector<512x128xf32>
    %get3A_45 = arith.constant 0 : index
    %get3A_46 = arith.constant 0 : index
    %get3A_47 = vector.load %arg8[%get3A_45, %get3A_46] : memref<1x128xf32, #tpu.memory_space<vmem>>, vector<1x128xf32>
    %add3A_48 = vector.broadcast %get3A_47 : vector<1x128xf32> to vector<512x128xf32>
    %add3A_49 = arith.addf %dot_general3A_44, %add3A_48 : vector<512x128xf32>
    %swap3A = arith.constant 0 : index
    %swap3A_50 = arith.constant 0 : index
    %swap3A_51 = vector.load %arg9[%swap3A, %swap3A_50] : memref<512x128xf32, #tpu.memory_space<vmem>>, vector<512x128xf32>
    tpu.vector_store %arg9[%swap3A, %swap3A_50], %add3A_49 {strides = array<i32>} : memref<512x128xf32, #tpu.memory_space<vmem>>, vector<512x128xf32>,
    return
  }
}

</mosaic_0001>

<sc_bundles>
// kernel: kernel.4.cloned.1.call-start
scs
__scs_entry_jumppad:
0x0: {  	(pc) =	sbr.rel $0x88, $3  }
0x1: {  	(tag) =	ssettag $0x0;
	lr =	simm.s32 $0x1  }
0x2: {  	[smem:$0x3F98] =	sst lr;
	_ =	strace $0xD0000000  }
0x3: {  	_ = 	snop  }
0x4: {  	_ = 	snop  }
0x5: {  	_ = 	snop  }
0x6: {  	_ = 	snop  }
0x7: {  	_ = 	snop  }
__scs_overlays_trampoline_lowered:
0x8: {  	[smem:$0x3FA7] =	sst s0  }
0x9: {  	[smem:$0x3FA8] =	sst s1  }
0xa: {  	[smem:$0x3FA9] =	sst s2  }
0xb: {  	[smem:$0x3FAA] =	sst s3  }
0xc: {  	[smem:$0x3FAB] =	sst s4  }
0xd: {  	[smem:$0x3FAC] =	sst s5  }
0xe: {  	[smem:$0x3FAD] =	sst s6  }
0xf: {  	[smem:$0x3FAE] =	sst s7  }
0x10: {  	[smem:$0x3FAF] =	sst s8  }
0x11: {  	[smem:$0x3FB0] =	sst s9;
	s0 =	simm.s32 @!p0 $0x0  }
0x12: {  	s1 =	sld [smem:$0x3F96];
	s0 =	simm.s32 @p0 $0x1  }
0x13: {  	[smem:$0x3FB1] =	sst s0;
	s0 =	simm.s32 @!p1 $0x0  }
0x14: {  	s2 =	sld [smem:$0x3F95];
	s0 =	simm.s32 @p1 $0x1  }
0x15: {  	[smem:$0x3FB2] =	sst s0;
	s0 =	simm.s32 @!p2 $0x0  }
0x16: {  	s3 =	sld [smem:$0x3FDB];
	s0 =	simm.s32 @p2 $0x1  }
0x17: {  	s4 =	simm.s32 $0x1BF5;
	[smem:$0x3FB4] =	sst s0  }
0x18: {  	s0 =	sld [smem:$0x3F97];
	_ =	swait.ge [sflag:s4], $0x0  }
0x19: {  	s7 =	sld [smem:$0x3F98]  }
0x1a: {  	s8 =	sadd.s32 $0xFFFFE003, lr  }
0x1b: {  	s9 =	sadd.s32 $0xFFFFFEF7, lr;
	s5 =	simm.s32 $0xFFFFFFFF;
	p2 =	slt.u32 s8, $0xFFFFF086  }
0x1c: {  	p1 =	slt.u32 s9, $0xF7A;
	s5 =	simm.s32 @!p2 $0x0  }
0x1d: {  	s5 =	simm.s32 @p1 $0x1;
	p0 =	seq.s32 s7, s2  }
0x1e: {  	s7 =	smul.u32 @!p0 $0xF7A, s2;
	p2 =	seq.s32 @!p0 s5, $0x0  }
0x1f: {  	s9 =	smul.u32 $0xF7A, s1;
	s8 =	simm.s32 @!p0 $0x1BF5;
	p2 =	por !p2, p0  }
0x20: {  	[sflag:s8] =	ssyncset.s32 @!p0 $0xFFFFF086;
	s6 =	sadd.s32 @!p0 s3, s7;
	s7 =	simm.s32 @!p0 $0x108  }
0x21: {  	s3 =	sadd.s32 s3, s9;
	s6 =	sadd.s32 @!p0 $0x88, s6;
	s7 =	simm.s32 @p2 $0x1082  }
0x22: {  	[simem:s7], [sflag:s8] =	dma.local @!p0 [hbm:s6], $0xF7A  }
0x23: {  	s9 =	sor.u32 $0xD0000000, s2;
	s6 =	simm.s32 $0x108;
	_ =	swait.ge @!p0 [sflag:s8], $0x0  }
0x24: {  	s3 =	sadd.s32 $0x88, s3;
	s6 =	simm.s32 @!p1 $0x1082;
	[sflag:s4] =	ssyncset.s32 $0xFFFFF086  }
0x25: {  	[simem:s6], [sflag:s4] =	dma.local [hbm:s3], $0xF7A  }
0x26: {  	[smem:$0x3F98] =	sst s1;
	(tag) =	ssettag s2;
	_ =	strace s9  }
0x27: {  	s1 =	sld [smem:$0x3FA8]  }
0x28: {  	s2 =	sld [smem:$0x3FA9]  }
0x29: {  	s4 =	sld [smem:$0x3FAB]  }
0x2a: {  	p0 =	seq.s32 s5, $0x0;
	s5 =	sld [smem:$0x3FAC]  }
0x2b: {  	s6 =	sld [smem:$0x3FAD]  }
0x2c: {  	s7 =	sld [smem:$0x3FAE]  }
0x2d: {  	s3 =	simm.s32 $0x108;
	s8 =	sld [smem:$0x3FAF]  }
0x2e: {  	s3 =	simm.s32 @!p0 $0x1082;
	s9 =	sld [smem:$0x3FB0]  }
0x2f: {  	lr =	sadd.s32 s0, s3;
	s0 =	sld [smem:$0x3FA7]  }
0x30: {  	s3 =	sld [smem:$0x3FAA]  }
0x31: {  	[smem:$0x3FB3] =	sst s10  }
0x32: {  	s10 =	sld [smem:$0x3FB1];
	_ =	sdelay $0x3  }
0x33: {  	p0 =	seq.s32 s10, $0x1;
	s10 =	sld [smem:$0x3FB3];
	_ =	sdelay $0x3  }
0x34: {  	[smem:$0x3FB3] =	sst s10  }
0x35: {  	s10 =	sld [smem:$0x3FB2];
	_ =	sdelay $0x3  }
0x36: {  	p1 =	seq.s32 s10, $0x1;
	s10 =	sld [smem:$0x3FB3];
	_ =	sdelay $0x3  }
0x37: {  	[smem:$0x3FB3] =	sst s10  }
0x38: {  	s10 =	sld [smem:$0x3FB4]  }
0x39: {  	_ = 	snop;
	(pc) =	sbr.ind lr, $3  }
0x3a: {  	_ = 	snop  }
0x3b: {  	_ = 	snop  }
0x3c: {  	p2 =	seq.s32 s10, $0x1;
	s10 =	sld [smem:$0x3FB3]  }
0x3d: {  	_ =	shalt  }
0x3e: {  	_ =	shalt  }
0x3f: {  	_ =	shalt  }
0x40: {  	_ =	shalt  }
0x41: {  	_ =	shalt  }
0x42: {  	_ =	shalt  }
0x43: {  	_ =	shalt  }
0x44: {  	_ =	shalt  }
0x45: {  	_ =	shalt  }
0x46: {  	_ =	shalt  }
0x47: {  	_ =	shalt  }
0x48: {  	_ =	shalt  }
0x49: {  	_ =	shalt  }
0x4a: {  	_ =	shalt  }
0x4b: {  	_ =	shalt  }
0x4c: {  	_ =	shalt  }
0x4d: {  	_ =	shalt  }
0x4e: {  	_ =	shalt  }
0x4f: {  	_ =	shalt  }
0x50: {  	_ =	shalt  }
0x51: {  	_ =	shalt  }
0x52: {  	_ =	shalt  }
0x53: {  	_ =	shalt  }
0x54: {  	_ =	shalt  }
0x55: {  	_ =	shalt  }
0x56: {  	_ =	shalt  }
0x57: {  	_ =	shalt  }
0x58: {  	_ =	shalt  }
0x59: {  	_ =	shalt  }
0x5a: {  	_ =	shalt  }
0x5b: {  	_ =	shalt  }
0x5c: {  	_ =	shalt  }
0x5d: {  	_ =	shalt  }
0x5e: {  	_ =	shalt  }
0x5f: {  	_ =	shalt  }
0x60: {  	_ =	shalt  }
0x61: {  	_ =	shalt  }
0x62: {  	_ =	shalt  }
0x63: {  	_ =	shalt  }
0x64: {  	_ =	shalt  }
0x65: {  	_ =	shalt  }
0x66: {  	_ =	shalt  }
0x67: {  	_ =	shalt  }
0x68: {  	_ =	shalt  }
0x69: {  	_ =	shalt  }
0x6a: {  	_ =	shalt  }
0x6b: {  	_ =	shalt  }
0x6c: {  	_ =	shalt  }
0x6d: {  	_ =	shalt  }
0x6e: {  	_ =	shalt  }
0x6f: {  	_ =	shalt  }
0x70: {  	_ =	shalt  }
0x71: {  	_ =	shalt  }
0x72: {  	_ =	shalt  }
0x73: {  	_ =	shalt  }
0x74: {  	_ =	shalt  }
0x75: {  	_ =	shalt  }
0x76: {  	_ =	shalt  }
0x77: {  	_ =	shalt  }
0x78: {  	_ =	shalt  }
0x79: {  	_ =	shalt  }
0x7a: {  	_ =	shalt  }
0x7b: {  	_ =	shalt  }
0x7c: {  	_ =	shalt  }
0x7d: {  	_ =	shalt  }
0x7e: {  	_ =	shalt  }
0x7f: {  	_ =	shalt  }
0x80: {  	_ =	shalt  }
0x81: {  	_ =	shalt  }
0x82: {  	_ =	shalt  }
0x83: {  	_ =	shalt  }
0x84: {  	_ =	shalt  }
0x85: {  	_ =	shalt  }
0x86: {  	_ =	shalt  }
0x87: {  	_ =	shalt  }
.Lfunc_end0:
.L_simem_size_0:
called_computation.1_lowered:
.L_overlay_start_0:
0x88: {  	s2 =	sld [smem:$0x3FD9]  }
0x89: {  	s3 =	sld [smem:$0x3FFE];
	_ =	sdelay $0x1  }
0x8a: {  	s1 =	srdreg.scid  }
0x8b: {  	s0 =	sand.u32 $0x1, s1  }
0x8c: {  	s17 =	sshll.u32 s0, $0xA;
	s2 =	sadd.s32 s3, s2  }
0x8d: {  	s2 =	sadd.s32 s2, s17  }
0x8e: {  	[smem:$0x3FBF] =	sst s2  }
0x8f: {  	_ = 	snop  }
0x90: {  	s2 =	sld [smem:$0x3FC9]  }
0x91: {  	s18 =	sld [smem:$0x3FD0];
	(tm) =	ssettm $0x1  }
0x92: {  	s4 =	sld [smem:$0x3FFB];
	_ =	sdelay $0x3  }
0x93: {  	_ =	strace s4  }
0x94: {  	s4 =	sld [smem:$0x3FFC];
	_ =	sdelay $0x3  }
0x95: {  	_ =	strace s4  }
0x96: {  	s4 =	sld [smem:$0x3FFD];
	_ =	sdelay $0x3  }
0x97: {  	_ =	strace s4  }
0x98: {  	_ =	strace $0x8FFFFFFF  }
0x99: {  	s19 =	sld [smem:$0x3FDB];
	_ =	sdelay $0x1  }
0x9a: {  	s5 =	simm.s32 $_scs_section_size  }
0x9b: {  	s6 =	simm.s32 $_size__tile_overlayer_lowered;
	s7 =	simm.s32 $_tile_overlayer_lowered  }
0x9c: {  	s22 =	simm.s32 $0x1BFF;
	s21 =	sshll.u32 s7, $0x1;
	s4 =	sadd.s32 s5, s19  }
0x9d: {  	s8 =	simm.s32 $0x0;
	s20 =	sshll.u32 s6, $0x1;
	s6 =	sadd.s32 s21, s4  }
0x9e: {  	[timem:s8], [sflag:s22] =	dma.local [hbm:s6], s20  }
0x9f: {  	_ =	swait.ge [sflag:s22], s20  }
0xa0: {  	s5 =	ssub.s32 $0x0, s20;
	[sflag:s22] =	ssyncset.done $0x0  }
0xa1: {  	[sflag:s22] =	ssyncadd.s32 s5;
	_ =	sdelay $0x1  }
0xa2: {  	s23 =	simm.s32 $0x1B8B  }
0xa3: {  	_ =	swait.ge [sflag:s23], $0x1  }
0xa4: {  	[sflag:s23] =	ssyncset.done $0x0  }
0xa5: {  	s25 =	simm.s32 $0x1B8E;
	s24 =	sld [smem:$0x3FFE];
	[sflag:s23] =	ssyncadd.s32 $0xFFFFFFFF  }
0xa6: {  	s26 =	simm.s32 $execute0_lowered;
	[smem:$0x3FD2] =	sst s25  }
0xa7: {  	s6 =	sshll.u32 s26, $0x1;
	_ =	strace $0x80000049;
	[dreg:$0x1] =	wrdreg $0xFFFFFFFF  }
0xa8: {  	s28 =	simm.s32 $_size_execute0_lowered;
	s4 =	sadd.s32 s4, s6;
	[dreg:$0x0] =	wrdreg $0x0  }
0xa9: {  	s6 =	sshll.u32 s28, $0x1;
	[dreg:$0x2] =	wrdreg s4  }
0xaa: {  	[dreg:$0x3] =	wrdreg s6  }
0xab: {  	[dreg:$0x4] =	wrdreg $0xC0  }
0xac: {  	_ =	task [dreg:s8], $0x5FFFF  }
0xad: {  	[dreg:$0x1] =	wrdreg $0xFFFFFFFF  }
0xae: {  	[dreg:$0x0] =	wrdreg $0x60  }
0xaf: {  	[dreg:$0x2] =	wrdreg s2  }
0xb0: {  	[dreg:$0x3] =	wrdreg s24  }
0xb1: {  	[dreg:$0x4] =	wrdreg s18  }
0xb2: {  	[dreg:$0x5] =	wrdreg $0x9F280  }
0xb3: {  	[dreg:$0x6] =	wrdreg $0x9  }
0xb4: {  	_ =	task.clear_ibuf [dreg:s8], $0x7FFFF;
	_ =	strace $0x90000049  }
0xb5: {  	s29 =	simm.s32 $0x9;
	_ =	strace $0x8000004B  }
0xb6: {  	_ =	swait.ge [sflag:s29], $0x1  }
0xb7: {  	[sflag:s29] =	ssyncadd.s32 $0xFFFFFFFF  }
0xb8: {  	_ =	strace $0x9000004B  }
0xb9: {  	_ =	sfence  }
0xba: {  	s30 =	sld [smem:$0x0];
	_ =	sdelay $0x2  }
0xbb: {  	s31 =	sshll.u32 s1, $0xD;
	s1 =	sshrl.u32 s1, $0x2  }
0xbc: {  	s3 =	sand.u32 $0x4000, s31;
	s1 =	sadd.s32 s1, s30  }
0xbd: {  	s0 =	sor.u32 s3, s0;
	s1 =	sshll.u32 s1, $0x11  }
0xbe: {  	s0 =	sor.u32 s1, s0  }
0xbf: {  	s0 =	sadd.s32 $0x8F2B, s0  }
0xc0: {  	[sflag:s0] =	ssyncadd.remote.s32 $0x1  }
0xc1: {  	_ =	sfence.sel $0xFFFF  }
0xc2: {  	[dreg:$0x0] =	wrdreg $0xFFFFFFFF;
	(pc) =	sbr.abs _section_cstart, $3  }
0xc3: {  	[dreg:$0x1] =	wrdreg $0xFFFFFFFF  }
0xc4: {  	_ =	task.clear_ibuf [dreg:s8], $0x2FFFF;
	_ =	strace $0x9FFFFFFF  }
0xc5: {  	(tm) =	ssettm $0x7FFFFFFF  }
tec
execute0_lowered:
.L_overlay_start_1:
0x0: {  	(tag) =	ssettag $0x1  }
0x1: {  	s12 =	rddreg [dreg:$0x0]  }
0x2: {  	s10 =	rddreg [dreg:$0x1]  }
0x3: {  	s0 =	srdreg.scid;
	s2 =	rddreg [dreg:$0x2]  }
0x4: {  	s3 =	rddreg [dreg:$0x3];
	s1 =	stileid.u32;
	s4 =	simm.s32 $0x0  }
0x5: {  	s18 =	simm.s32 $0x9EA8;
	s19 =	simm.s32 $0x4000;
	s20 =	simm.s32 $0x1  }
0x6: {  	s21 =	simm.s32 $0x80;
	s8 =	sand.u32 $0x1, s0;
	s0 =	rddreg [dreg:$0x4]  }
0x7: {  	s22 =	simm.s32 $0x2;
	s24 =	simm.s32 $0x0;
	[smem:$0x7FF] =	sst s4  }
0x8: {  	s7 =	sshll.u32 s1, $0xC;
	s17 =	smul.u32 $0xC000, s1;
	s5 =	sshll.u32 s8, $0x4  }
0x9: {  	s6 =	sshll.u32 s8, $0x10;
	_ =	strace $0x8000004A;
	s11 =	ssub.s32 $0x2, s8  }
0xa: {  	s16 =	smul.u32 $0xC0000, s8;
	s23 =	sor.u32 s1, s5;
	s26 =	sor.u32 s7, s6  }
0xb: {  	s29 =	sshrl.u32 s11, $0x1;
	s5 =	smul.u32 $0x18, s23;
	s13 =	smin.u32 s23, $0xD  }
0xc: {  	s15 =	ssub.s32 s11, s29;
	s30 =	sadd.s32 s16, s12;
	p0 =	sgt.u32 s23, $0xC  }
0xd: {  	s16 =	simm.s32 $0x3;
	s31 =	sshll.u32 s13, $0xB;
	p1 =	sne.s32 @p0 s23, $0x1E  }
0xe: {  	s23 =	simm.s32 $0x8B00;
	s9 =	sadd.s32 s13, s5;
	s5 =	sshrl.u32 s26, $0x3  }
0xf: {  	p1 =	por p1, !p0;
	s28 =	sshll.u32 s9, $0x4;
	s14 =	sadd.s32 s5, s10  }
0x10: {  	s9 =	sshll.u32 s9, $0xB;
	s6 =	sadd.s32 s28, s10;
	s10 =	sadd.s32 $0x3728D0, s10  }
0x11: {  	s11 =	sadd.s32 $0x311C00, s14;
	s14 =	sadd.s32 s17, s30;
	s17 =	simm.s32 $0x8C80  }
0x12: {  	s5 =	sadd.s32 $0x36F800, s6;
	s6 =	sadd.s32 s7, s3;
	s7 =	sadd.s32 s12, s9  }
0x13: {  	s9 =	sadd.s32 $0x186800, s12;
	s12 =	smax.u32 s15, $0x1;
	s14 =	sadd.s32 s31, s14  }
0x14: {  	v0 =	vimm.f32 $0.0e+00;
	s15 =	simm.s32 $0x8000;
	s8 =	sadd.s32 $0x800, s7;
	s13 =	sadd.s32 $0xC000, s7  }
.LBB2_1:
0x15: {  	[tilespmem:s15], [sflag:$0x3] =	stream.linear.gather [hbm4b:s5+s4], $0xC80, $0x38;
	[tilespmem:$0xAF28] =	vst v63  }
0x16: {  	_ =	swait.ge [sflag:s16], $0xC80  }
0x17: {  	[sflag:s16] =	ssyncset.done $0x0  }
0x18: {  	[sflag:s16] =	ssyncadd.s32 $0xFFFFF380  }
0x19: {  	[tilespmem:s17], [sflag:$0x3] =	stream.linear.gather [hbm4b:s2+s4], $0x208, $0x38;
	[tilespmem:$0xAF28] =	vst v63  }
0x1a: {  	_ =	swait.ge [sflag:s16], $0x208  }
0x1b: {  	[sflag:s16] =	ssyncset.done $0x0  }
0x1c: {  	[sflag:s16] =	ssyncadd.s32 $0xFFFFFDF8  }
0x1d: {  	[tilespmem:$0x9EA8] =	vst v0  }
0x1e: {  	[tilespmem:$0x9EB8] =	vst v0  }
0x1f: {  	[tilespmem:$0x9EC8] =	vst v0  }
0x20: {  	[tilespmem:$0x9ED8] =	vst v0  }
0x21: {  	[tilespmem:$0x9EE8] =	vst v0  }
0x22: {  	[tilespmem:$0x9EF8] =	vst v0  }
0x23: {  	[tilespmem:$0x9F08] =	vst v0  }
0x24: {  	s25 =	sadd.s32 $0x0, s6;
	[tilespmem:$0x9F18] =	vst v0  }
0x25: {  	[spmem:s25] =	stream.linear.scatter [tilespmem:s18], [sflag:$0x3], $0x80, $0x38;
	[tilespmem:$0xAF28] =	vst v63  }
0x26: {  	s25 =	simm.s32 $0x200;
	_ =	swait.ge [sflag:s16], $0x80  }
.LBB2_2:
0x27: {  	s26 =	sshra.s32 s25, $0x2;
	[sflag:s16] =	ssyncset.done $0x0;
	p2 =	sne.s32 s25, $0x3E00  }
.Ltmp0:
0x28: {  	s26 =	sadd.s32 s26, s6;
	[sflag:s16] =	ssyncadd.s32 $0xFFFFFF80;
	(pc) =	sbr.rel @p2 .LBB2_2-.Ltmp0, $3  }
0x29: {  	[spmem:s26] =	stream.linear.scatter [tilespmem:s18], [sflag:$0x3], $0x80, $0x38;
	[tilespmem:$0xAF28] =	vst v63  }
0x2a: {  	s25 =	sadd.s32 $0x200, s25;
	_ =	sdelay $0x1  }
0x2b: {  	_ =	swait.ge [sflag:s16], $0x80  }
0x2c: {  	[sflag:s16] =	ssyncset.done $0x0  }
0x2d: {  	[sflag:s16] =	ssyncadd.s32 $0xFFFFFF80  }
0x2e: {  	[bflag:$0x0] =	sbarrier.arrive $0xFFFF  }
0x2f: {  	[tilespmem:s4], [sflag:$0x1] =	stream.linear.gather [hbm4b:s7+s4], $0x4000, $0x38;
	[tilespmem:$0xAF28] =	vst v63  }
0x30: {  	_ = 	snop  }
0x31: {  	[tilespmem:s19], [sflag:$0x2] =	stream.linear.gather [hbm4b:s8+s4], $0x4000, $0x38;
	[tilespmem:$0xAF28] =	vst v63  }
0x32: {  	_ =	swait.ge [sflag:s20], $0x4000  }
0x33: {  	[sflag:s20] =	ssyncset.done $0x0  }
0x34: {  	s25 =	simm.s32 $0x8000;
	[sflag:s20] =	ssyncadd.s32 $0xFFFFC000  }
0x35: {  	[spmem:s3] =	stream.indirect.scatter.add.f32 [tilespmem:s4], [sflag:$0x3], $0x80, s25, s21, $0xb8;
	[tilespmem:$0xAF28] =	vst v63  }
0x36: {  	_ =	swait.ge [sflag:s16], $0x4000  }
0x37: {  	s26 =	sadd.s32 $0xFFFF5000, s14;
	[sflag:s16] =	ssyncset.done $0x0  }
0x38: {  	s30 =	sadd.s32 $0xC000, s26;
	[sflag:s16] =	ssyncadd.s32 $0xFFFFC000  }
0x39: {  	[tilespmem:s4], [sflag:$0x1] =	stream.linear.gather [hbm4b:s30+s4], $0x4000, $0x38;
	[tilespmem:$0xAF28] =	vst v63  }
0x3a: {  	_ =	swait.ge [sflag:s22], $0x4000  }
0x3b: {  	[sflag:s22] =	ssyncset.done $0x0  }
0x3c: {  	s31 =	simm.s32 $0x8080;
	[sflag:s22] =	ssyncadd.s32 $0xFFFFC000  }
0x3d: {  	[spmem:s3] =	stream.indirect.scatter.add.f32 [tilespmem:s19], [sflag:$0x3], $0x80, s31, s21, $0xb8;
	[tilespmem:$0xAF28] =	vst v63  }
0x3e: {  	_ =	swait.ge [sflag:s16], $0x4000  }
0x3f: {  	s28 =	sadd.s32 $0xC800, s26;
	[sflag:s16] =	ssyncset.done $0x0  }
0x40: {  	s26 =	simm.s32 $0x8100;
	s25 =	simm.s32 $0xFFFF6000;
	[sflag:s16] =	ssyncadd.s32 $0xFFFFC000  }
.LBB2_4:
0x41: {  	[tilespmem:s19], [sflag:$0x2] =	stream.linear.gather [hbm4b:s28+s4], $0x4000, $0x38;
	[tilespmem:$0xAF28] =	vst v63  }
0x42: {  	s28 =	smov.u32 s25  }
0x43: {  	p2 =	sne.s32 s25, $0xFFFFF000;
	s25 =	sadd.s32 $0x1000, s25;
	_ =	swait.ge [sflag:s20], $0x4000  }
0x44: {  	[sflag:s20] =	ssyncset.done $0x0  }
0x45: {  	[sflag:s20] =	ssyncadd.s32 $0xFFFFC000  }
0x46: {  	[spmem:s3] =	stream.indirect.scatter.add.f32 [tilespmem:s4], [sflag:$0x3], $0x80, s26, s21, $0xb8;
	[tilespmem:$0xAF28] =	vst v63  }
0x47: {  	_ =	swait.ge [sflag:s16], $0x4000  }
0x48: {  	s28 =	sadd.s32 s28, s14;
	[sflag:s16] =	ssyncset.done $0x0  }
0x49: {  	s29 =	sadd.s32 $0xC000, s28;
	[sflag:s16] =	ssyncadd.s32 $0xFFFFC000  }
0x4a: {  	[tilespmem:s4], [sflag:$0x1] =	stream.linear.gather [hbm4b:s29+s4], $0x4000, $0x38;
	[tilespmem:$0xAF28] =	vst v63  }
0x4b: {  	_ =	swait.ge [sflag:s22], $0x4000  }
0x4c: {  	[sflag:s22] =	ssyncset.done $0x0  }
.Ltmp1:
0x4d: {  	s29 =	sadd.s32 $0x80, s26;
	[sflag:s22] =	ssyncadd.s32 $0xFFFFC000;
	(pc) =	sbr.rel @p2 .LBB2_4-.Ltmp1, $4  }
0x4e: {  	[spmem:s3] =	stream.indirect.scatter.add.f32 [tilespmem:s19], [sflag:$0x3], $0x80, s29, s21, $0xb8;
	[tilespmem:$0xAF28] =	vst v63  }
0x4f: {  	_ =	swait.ge [sflag:s16], $0x4000  }
0x50: {  	[sflag:s16] =	ssyncset.done $0x0  }
0x51: {  	s28 =	sadd.s32 $0xC800, s28;
	s26 =	sadd.s32 $0x100, s26;
	[sflag:s16] =	ssyncadd.s32 $0xFFFFC000  }
0x52: {  	[tilespmem:s19], [sflag:$0x2] =	stream.linear.gather [hbm4b:s28+s4], $0x4000, $0x38;
	[tilespmem:$0xAF28] =	vst v63  }
0x53: {  	_ =	swait.ge [sflag:s20], $0x4000  }
0x54: {  	[sflag:s20] =	ssyncset.done $0x0  }
0x55: {  	[sflag:s20] =	ssyncadd.s32 $0xFFFFC000  }
0x56: {  	[spmem:s3] =	stream.indirect.scatter.add.f32 [tilespmem:s4], [sflag:$0x3], $0x80, s23, s21, $0xb8;
	[tilespmem:$0xAF28] =	vst v63  }
0x57: {  	_ =	swait.ge [sflag:s16], $0x4000  }
0x58: {  	[sflag:s16] =	ssyncset.done $0x0  }
0x59: {  	s25 =	simm.s32 @p0 $0x2;
	[sflag:s16] =	ssyncadd.s32 $0xFFFFC000  }
0x5a: {  	_ =	swait.ge @p0 [sflag:s25], $0x4000  }
0x5b: {  	s26 =	simm.s32 @p0 $0x8B80;
	[sflag:s25] =	ssyncset.done @p0 $0x0  }
0x5c: {  	s28 =	simm.s32 @p0 $0x4000;
	[sflag:s25] =	ssyncadd.s32 @p0 $0xFFFFC000;
	s25 =	simm.s32 @p0 $0x80  }
0x5d: {  	[spmem:s3] =	stream.indirect.scatter.add.f32 @p0 [tilespmem:s28], [sflag:$0x3], $0x80, s26, s25, $0xb8;
	[tilespmem:$0xAF28] =	vst v63  }
0x5e: {  	s25 =	simm.s32 @p0 $0x3  }
0x5f: {  	_ =	swait.ge @p0 [sflag:s25], $0x4000  }
0x60: {  	s26 =	simm.s32 @!p1 $0x8E88;
	[sflag:s25] =	ssyncset.done @p0 $0x0  }
0x61: {  	s28 =	simm.s32 @!p1 $0x3;
	[sflag:s25] =	ssyncadd.s32 @p0 $0xFFFFC000;
	s25 =	simm.s32 @!p1 $0x0  }
0x62: {  	[tilespmem:s26], [sflag:$0x3] =	stream.linear.gather @!p1 [hbm4b:s9+s25], $0x1000, $0x38;
	[tilespmem:$0xAF28] =	vst v63  }
0x63: {  	_ =	swait.ge @!p1 [sflag:s28], $0x1000  }
0x64: {  	[sflag:s28] =	ssyncset.done @!p1 $0x0  }
0x65: {  	s29 =	simm.s32 @!p1 $0x9E88;
	[sflag:s28] =	ssyncadd.s32 @!p1 $0xFFFFF000  }
0x66: {  	[tilespmem:s29], [sflag:$0x3] =	stream.linear.gather @!p1 [hbm4b:s10+s25], $0x20, $0x38;
	[tilespmem:$0xAF28] =	vst v63  }
0x67: {  	_ =	swait.ge @!p1 [sflag:s28], $0x20  }
0x68: {  	[sflag:s28] =	ssyncset.done @!p1 $0x0  }
0x69: {  	s25 =	simm.s32 @!p1 $0x20;
	[sflag:s28] =	ssyncadd.s32 @!p1 $0xFFFFFFE0  }
0x6a: {  	[spmem:s3] =	stream.indirect.scatter.add.f32 @!p1 [tilespmem:s26], [sflag:$0x3], $0x80, s29, s25, $0xb8;
	[tilespmem:$0xAF28] =	vst v63  }
0x6b: {  	_ =	swait.ge @!p1 [sflag:s28], $0x1000  }
0x6c: {  	[sflag:s28] =	ssyncset.done @!p1 $0x0  }
0x6d: {  	s25 =	simm.s32 @!p0 $0x0;
	s26 =	simm.s32 @!p0 $0x2;
	[sflag:s28] =	ssyncadd.s32 @!p1 $0xFFFFF000  }
0x6e: {  	[tilespmem:s25], [sflag:$0x1] =	stream.linear.gather @!p0 [hbm4b:s13+s25], $0x4000, $0x38;
	[tilespmem:$0xAF28] =	vst v63  }
0x6f: {  	_ =	swait.ge @!p0 [sflag:s26], $0x4000  }
0x70: {  	s29 =	simm.s32 @!p0 $0x4000;
	[sflag:s26] =	ssyncset.done @!p0 $0x0  }
0x71: {  	s28 =	simm.s32 @!p0 $0x8B80;
	[sflag:s26] =	ssyncadd.s32 @!p0 $0xFFFFC000;
	s26 =	simm.s32 @!p0 $0x80  }
0x72: {  	[spmem:s3] =	stream.indirect.scatter.add.f32 @!p0 [tilespmem:s29], [sflag:$0x3], $0x80, s28, s26, $0xb8;
	[tilespmem:$0xAF28] =	vst v63  }
0x73: {  	s28 =	simm.s32 @!p0 $0x3  }
0x74: {  	_ =	swait.ge @!p0 [sflag:s28], $0x4000  }
0x75: {  	[sflag:s28] =	ssyncset.done @!p0 $0x0  }
0x76: {  	s29 =	simm.s32 @!p0 $0x1;
	[sflag:s28] =	ssyncadd.s32 @!p0 $0xFFFFC000  }
0x77: {  	_ =	swait.ge @!p0 [sflag:s29], $0x4000  }
0x78: {  	[sflag:s29] =	ssyncset.done @!p0 $0x0  }
0x79: {  	[sflag:s29] =	ssyncadd.s32 @!p0 $0xFFFFC000;
	s29 =	simm.s32 @!p0 $0x8C00  }
0x7a: {  	[spmem:s3] =	stream.indirect.scatter.add.f32 @!p0 [tilespmem:s25], [sflag:$0x3], $0x80, s29, s26, $0xb8;
	[tilespmem:$0xAF28] =	vst v63  }
0x7b: {  	_ =	swait.ge @!p0 [sflag:s28], $0x4000  }
0x7c: {  	s30 =	sshll.u32 s1, $0x6;
	s24 =	sadd.s32 $0x1, s24;
	[sflag:s28] =	ssyncset.done @!p0 $0x0  }
0x7d: {  	s31 =	sshrl.u32 s6, $0x3;
	p2 =	sne.s32 s24, s12;
	[sflag:s28] =	ssyncadd.s32 @!p0 $0xFFFFC000  }
.Ltmp2:
0x7e: {  	s25 =	sor.u32 $0x1C03, s30;
	[bflag:$0x0] =	sbarrier.arrive $0xFFFF;
	(pc) =	sbr.rel @p2 .LBB2_1-.Ltmp2, $4  }
0x7f: {  	[hbm:s11], [sflag:s25] =	dma.local [spmem:s31], $0x200  }
0x80: {  	_ =	swait.ge [sflag:s16], $0x200  }
0x81: {  	[sflag:s16] =	ssyncset.done $0x0  }
0x82: {  	[sflag:s16] =	ssyncadd.s32 $0xFFFFFE00  }
0x83: {  	_ =	sfence.sel $0x180000  }
0x84: {  	[bflag:$0x0] =	sbarrier.arrive $0xFFFF  }
0x85: {  	p0 =	sne.s32 s1, $0x0;
	_ =	strace $0x9000004A  }
0x86: {  	s0 =	sadd.s32 @!p0 $0x100000, s0;
	[bflag:$0x2] =	sbarrier.arrive $0xFFFF  }
0x87: {  	[sflag:s0] =	ssyncadd.tile.s32 @!p0 $0x1;
	_ =	shalt  }
.Lfunc_end2:
_tile_overlayer_lowered:
.L_overlay_start_2:
0x88: {  	(tag) =	ssettag $0x2  }
0x89: {  	s0 =	rddreg [dreg:$0x0];
	s2 =	stileid.u32  }
0x8a: {  	s1 =	rddreg [dreg:$0x1];
	p0 =	sne.s32 s2, $0x0  }
0x8b: {  	s3 =	rddreg [dreg:$0x2];
	[bflag:$0x3] =	sbarrier.arrive $0xFFFF;
	s2 =	simm.s32 @!p0 $0x1C03  }
0x8c: {  	[timem:s3], [sflag:s2] =	dma.local @!p0 [hbm:s0], s1  }
0x8d: {  	s0 =	simm.s32 @!p0 $0x3  }
0x8e: {  	_ =	swait.ge @!p0 [sflag:s0], s1  }
0x8f: {  	s1 =	ssub.s32 @!p0 $0x0, s1;
	[sflag:s0] =	ssyncset.done @!p0 $0x0  }
0x90: {  	[sflag:s0] =	ssyncadd.s32 @!p0 s1  }
0x91: {  	[bflag:$0x3] =	sbarrier.arrive $0xFFFF  }
0x92: {  	_ =	shalt  }

// kernel: scatter_offload_async_start
scs
__scs_entry_jumppad:
0x0: {  	(pc) =	sbr.rel $0x88, $3  }
0x1: {  	(tag) =	ssettag $0x0;
	lr =	simm.s32 $0x1  }
0x2: {  	[smem:$0x3F98] =	sst lr;
	_ =	strace $0xD0000000  }
0x3: {  	_ = 	snop  }
0x4: {  	_ = 	snop  }
0x5: {  	_ = 	snop  }
0x6: {  	_ = 	snop  }
0x7: {  	_ = 	snop  }
__scs_overlays_trampoline_lowered:
0x8: {  	[smem:$0x3FA7] =	sst s0  }
0x9: {  	[smem:$0x3FA8] =	sst s1  }
0xa: {  	[smem:$0x3FA9] =	sst s2  }
0xb: {  	[smem:$0x3FAA] =	sst s3  }
0xc: {  	[smem:$0x3FAB] =	sst s4  }
0xd: {  	[smem:$0x3FAC] =	sst s5  }
0xe: {  	[smem:$0x3FAD] =	sst s6  }
0xf: {  	[smem:$0x3FAE] =	sst s7  }
0x10: {  	[smem:$0x3FAF] =	sst s8  }
0x11: {  	[smem:$0x3FB0] =	sst s9;
	s0 =	simm.s32 @!p0 $0x0  }
0x12: {  	s1 =	sld [smem:$0x3F96];
	s0 =	simm.s32 @p0 $0x1  }
0x13: {  	[smem:$0x3FB1] =	sst s0;
	s0 =	simm.s32 @!p1 $0x0  }
0x14: {  	s2 =	sld [smem:$0x3F95];
	s0 =	simm.s32 @p1 $0x1  }
0x15: {  	[smem:$0x3FB2] =	sst s0;
	s0 =	simm.s32 @!p2 $0x0  }
0x16: {  	s3 =	sld [smem:$0x3FDB];
	s0 =	simm.s32 @p2 $0x1  }
0x17: {  	s4 =	simm.s32 $0x1BF5;
	[smem:$0x3FB4] =	sst s0  }
0x18: {  	s0 =	sld [smem:$0x3F97];
	_ =	swait.ge [sflag:s4], $0x0  }
0x19: {  	s7 =	sld [smem:$0x3F98]  }
0x1a: {  	s8 =	sadd.s32 $0xFFFFE003, lr  }
0x1b: {  	s9 =	sadd.s32 $0xFFFFFEF7, lr;
	s5 =	simm.s32 $0xFFFFFFFF;
	p2 =	slt.u32 s8, $0xFFFFF086  }
0x1c: {  	p1 =	slt.u32 s9, $0xF7A;
	s5 =	simm.s32 @!p2 $0x0  }
0x1d: {  	s5 =	simm.s32 @p1 $0x1;
	p0 =	seq.s32 s7, s2  }
0x1e: {  	s7 =	smul.u32 @!p0 $0xF7A, s2;
	p2 =	seq.s32 @!p0 s5, $0x0  }
0x1f: {  	s9 =	smul.u32 $0xF7A, s1;
	s8 =	simm.s32 @!p0 $0x1BF5;
	p2 =	por !p2, p0  }
0x20: {  	[sflag:s8] =	ssyncset.s32 @!p0 $0xFFFFF086;
	s6 =	sadd.s32 @!p0 s3, s7;
	s7 =	simm.s32 @!p0 $0x108  }
0x21: {  	s3 =	sadd.s32 s3, s9;
	s6 =	sadd.s32 @!p0 $0x88, s6;
	s7 =	simm.s32 @p2 $0x1082  }
0x22: {  	[simem:s7], [sflag:s8] =	dma.local @!p0 [hbm:s6], $0xF7A  }
0x23: {  	s9 =	sor.u32 $0xD0000000, s2;
	s6 =	simm.s32 $0x108;
	_ =	swait.ge @!p0 [sflag:s8], $0x0  }
0x24: {  	s3 =	sadd.s32 $0x88, s3;
	s6 =	simm.s32 @!p1 $0x1082;
	[sflag:s4] =	ssyncset.s32 $0xFFFFF086  }
0x25: {  	[simem:s6], [sflag:s4] =	dma.local [hbm:s3], $0xF7A  }
0x26: {  	[smem:$0x3F98] =	sst s1;
	(tag) =	ssettag s2;
	_ =	strace s9  }
0x27: {  	s1 =	sld [smem:$0x3FA8]  }
0x28: {  	s2 =	sld [smem:$0x3FA9]  }
0x29: {  	s4 =	sld [smem:$0x3FAB]  }
0x2a: {  	p0 =	seq.s32 s5, $0x0;
	s5 =	sld [smem:$0x3FAC]  }
0x2b: {  	s6 =	sld [smem:$0x3FAD]  }
0x2c: {  	s7 =	sld [smem:$0x3FAE]  }
0x2d: {  	s3 =	simm.s32 $0x108;
	s8 =	sld [smem:$0x3FAF]  }
0x2e: {  	s3 =	simm.s32 @!p0 $0x1082;
	s9 =	sld [smem:$0x3FB0]  }
0x2f: {  	lr =	sadd.s32 s0, s3;
	s0 =	sld [smem:$0x3FA7]  }
0x30: {  	s3 =	sld [smem:$0x3FAA]  }
0x31: {  	[smem:$0x3FB3] =	sst s10  }
0x32: {  	s10 =	sld [smem:$0x3FB1];
	_ =	sdelay $0x3  }
0x33: {  	p0 =	seq.s32 s10, $0x1;
	s10 =	sld [smem:$0x3FB3];
	_ =	sdelay $0x3  }
0x34: {  	[smem:$0x3FB3] =	sst s10  }
0x35: {  	s10 =	sld [smem:$0x3FB2];
	_ =	sdelay $0x3  }
0x36: {  	p1 =	seq.s32 s10, $0x1;
	s10 =	sld [smem:$0x3FB3];
	_ =	sdelay $0x3  }
0x37: {  	[smem:$0x3FB3] =	sst s10  }
0x38: {  	s10 =	sld [smem:$0x3FB4]  }
0x39: {  	_ = 	snop;
	(pc) =	sbr.ind lr, $3  }
0x3a: {  	_ = 	snop  }
0x3b: {  	_ = 	snop  }
0x3c: {  	p2 =	seq.s32 s10, $0x1;
	s10 =	sld [smem:$0x3FB3]  }
0x3d: {  	_ =	shalt  }
0x3e: {  	_ =	shalt  }
0x3f: {  	_ =	shalt  }
0x40: {  	_ =	shalt  }
0x41: {  	_ =	shalt  }
0x42: {  	_ =	shalt  }
0x43: {  	_ =	shalt  }
0x44: {  	_ =	shalt  }
0x45: {  	_ =	shalt  }
0x46: {  	_ =	shalt  }
0x47: {  	_ =	shalt  }
0x48: {  	_ =	shalt  }
0x49: {  	_ =	shalt  }
0x4a: {  	_ =	shalt  }
0x4b: {  	_ =	shalt  }
0x4c: {  	_ =	shalt  }
0x4d: {  	_ =	shalt  }
0x4e: {  	_ =	shalt  }
0x4f: {  	_ =	shalt  }
0x50: {  	_ =	shalt  }
0x51: {  	_ =	shalt  }
0x52: {  	_ =	shalt  }
0x53: {  	_ =	shalt  }
0x54: {  	_ =	shalt  }
0x55: {  	_ =	shalt  }
0x56: {  	_ =	shalt  }
0x57: {  	_ =	shalt  }
0x58: {  	_ =	shalt  }
0x59: {  	_ =	shalt  }
0x5a: {  	_ =	shalt  }
0x5b: {  	_ =	shalt  }
0x5c: {  	_ =	shalt  }
0x5d: {  	_ =	shalt  }
0x5e: {  	_ =	shalt  }
0x5f: {  	_ =	shalt  }
0x60: {  	_ =	shalt  }
0x61: {  	_ =	shalt  }
0x62: {  	_ =	shalt  }
0x63: {  	_ =	shalt  }
0x64: {  	_ =	shalt  }
0x65: {  	_ =	shalt  }
0x66: {  	_ =	shalt  }
0x67: {  	_ =	shalt  }
0x68: {  	_ =	shalt  }
0x69: {  	_ =	shalt  }
0x6a: {  	_ =	shalt  }
0x6b: {  	_ =	shalt  }
0x6c: {  	_ =	shalt  }
0x6d: {  	_ =	shalt  }
0x6e: {  	_ =	shalt  }
0x6f: {  	_ =	shalt  }
0x70: {  	_ =	shalt  }
0x71: {  	_ =	shalt  }
0x72: {  	_ =	shalt  }
0x73: {  	_ =	shalt  }
0x74: {  	_ =	shalt  }
0x75: {  	_ =	shalt  }
0x76: {  	_ =	shalt  }
0x77: {  	_ =	shalt  }
0x78: {  	_ =	shalt  }
0x79: {  	_ =	shalt  }
0x7a: {  	_ =	shalt  }
0x7b: {  	_ =	shalt  }
0x7c: {  	_ =	shalt  }
0x7d: {  	_ =	shalt  }
0x7e: {  	_ =	shalt  }
0x7f: {  	_ =	shalt  }
0x80: {  	_ =	shalt  }
0x81: {  	_ =	shalt  }
0x82: {  	_ =	shalt  }
0x83: {  	_ =	shalt  }
0x84: {  	_ =	shalt  }
0x85: {  	_ =	shalt  }
0x86: {  	_ =	shalt  }
0x87: {  	_ =	shalt  }
.Lfunc_end0:
.L_simem_size_0:
called_computation_lowered:
.L_overlay_start_0:
0x88: {  	s0 =	sld [smem:$0x3FD9]  }
0x89: {  	s1 =	sld [smem:$0x3FFE];
	_ =	sdelay $0x3  }
0x8a: {  	s0 =	sadd.s32 s1, s0  }
0x8b: {  	[smem:$0x3FBF] =	sst s0  }
0x8c: {  	_ = 	snop  }
0x8d: {  	s0 =	sld [smem:$0x3FD0];
	(tm) =	ssettm $0x1  }
0x8e: {  	s16 =	sld [smem:$0x3FFB];
	_ =	sdelay $0x3  }
0x8f: {  	_ =	strace s16  }
0x90: {  	s1 =	sld [smem:$0x3FFC];
	_ =	sdelay $0x3  }
0x91: {  	_ =	strace s1  }
0x92: {  	s1 =	sld [smem:$0x3FFD];
	_ =	sdelay $0x3  }
0x93: {  	_ =	strace s1  }
0x94: {  	_ =	strace $0x8FFFFFFF  }
0x95: {  	s17 =	sld [smem:$0x3FDB];
	_ =	sdelay $0x1  }
0x96: {  	s2 =	simm.s32 $_scs_section_size  }
0x97: {  	s3 =	simm.s32 $_size__tile_overlayer_lowered;
	s4 =	simm.s32 $_tile_overlayer_lowered  }
0x98: {  	s20 =	simm.s32 $0x1BFF;
	s19 =	sshll.u32 s4, $0x1;
	s1 =	sadd.s32 s2, s17  }
0x99: {  	s5 =	simm.s32 $0x0;
	s18 =	sshll.u32 s3, $0x1;
	s3 =	sadd.s32 s19, s1  }
0x9a: {  	[timem:s5], [sflag:s20] =	dma.local [hbm:s3], s18  }
0x9b: {  	_ =	swait.ge [sflag:s20], s18  }
0x9c: {  	s2 =	ssub.s32 $0x0, s18;
	[sflag:s20] =	ssyncset.done $0x0  }
0x9d: {  	[sflag:s20] =	ssyncadd.s32 s2;
	_ =	sdelay $0x1  }
0x9e: {  	s21 =	simm.s32 $0x1B8B  }
0x9f: {  	_ =	swait.ge [sflag:s21], $0x1  }
0xa0: {  	[sflag:s21] =	ssyncset.done $0x0  }
0xa1: {  	s23 =	simm.s32 $0x1B8E;
	s22 =	sld [smem:$0x3FFE];
	[sflag:s21] =	ssyncadd.s32 $0xFFFFFFFF  }
0xa2: {  	s24 =	simm.s32 $execute0_lowered;
	[smem:$0x3FD2] =	sst s23  }
0xa3: {  	s3 =	sshll.u32 s24, $0x1;
	_ =	strace $0x80000046;
	[dreg:$0x1] =	wrdreg $0xFFFFFFFF  }
0xa4: {  	s25 =	simm.s32 $_size_execute0_lowered;
	s1 =	sadd.s32 s1, s3;
	[dreg:$0x0] =	wrdreg $0x0  }
0xa5: {  	s3 =	sshll.u32 s25, $0x1;
	[dreg:$0x2] =	wrdreg s1  }
0xa6: {  	[dreg:$0x3] =	wrdreg s3  }
0xa7: {  	[dreg:$0x4] =	wrdreg $0xC0  }
0xa8: {  	_ =	task [dreg:s5], $0x5FFFF  }
0xa9: {  	[dreg:$0x1] =	wrdreg $0xFFFFFFFF  }
0xaa: {  	[dreg:$0x0] =	wrdreg $0x60  }
0xab: {  	[dreg:$0x2] =	wrdreg s0  }
0xac: {  	[dreg:$0x3] =	wrdreg s22  }
0xad: {  	[dreg:$0x4] =	wrdreg $0x9  }
0xae: {  	_ =	task.clear_ibuf [dreg:s5], $0x5FFFF;
	_ =	strace $0x90000046  }
0xaf: {  	s26 =	simm.s32 $0x9;
	_ =	strace $0x80000048  }
0xb0: {  	_ =	swait.ge [sflag:s26], $0x1  }
0xb1: {  	[sflag:s26] =	ssyncadd.s32 $0xFFFFFFFF  }
0xb2: {  	_ =	strace $0x90000048  }
0xb3: {  	_ =	sfence  }
0xb4: {  	s28 =	sld [smem:$0x0];
	_ =	sdelay $0x1  }
0xb5: {  	s29 =	srdreg.scid  }
0xb6: {  	s30 =	sshll.u32 s29, $0xD;
	s31 =	sshrl.u32 s29, $0x2  }
0xb7: {  	s2 =	sand.u32 $0x4000, s30;
	s1 =	sand.u32 $0x1, s29;
	s0 =	sadd.s32 s31, s28  }
0xb8: {  	s1 =	sor.u32 s2, s1;
	s0 =	sshll.u32 s0, $0x11  }
0xb9: {  	s0 =	sor.u32 s0, s1  }
0xba: {  	s0 =	sadd.s32 $0x8F2B, s0  }
0xbb: {  	[sflag:s0] =	ssyncadd.remote.s32 $0x1  }
0xbc: {  	_ =	sfence.sel $0xFFFF  }
0xbd: {  	[dreg:$0x0] =	wrdreg $0xFFFFFFFF;
	(pc) =	sbr.abs _section_cstart, $3  }
0xbe: {  	[dreg:$0x1] =	wrdreg $0xFFFFFFFF  }
0xbf: {  	_ =	task.clear_ibuf [dreg:s5], $0x2FFFF;
	_ =	strace $0x9FFFFFFF  }
0xc0: {  	(tm) =	ssettm $0x7FFFFFFF  }
0xc1: {  	_ =	shalt  }
tec
execute0_lowered:
.L_overlay_start_1:
0x0: {  	(tag) =	ssettag $0x1  }
0x1: {  	s1 =	rddreg [dreg:$0x0]  }
0x2: {  	s7 =	rddreg [dreg:$0x1]  }
0x3: {  	s0 =	rddreg [dreg:$0x2]  }
0x4: {  	s3 =	stileid.u32;
	_ =	strace $0x80000047;
	s4 =	simm.s32 $0x3E  }
0x5: {  	p0 =	sne.s32 s3, $0x0;
	[sflag:s4] =	ssyncpa.u1 $0x0;
	s29 =	smul.u32 $0xC, s3  }
0x6: {  	s30 =	smin.u32 s3, $0x8;
	s2 =	simm.s32 @!p0 $0x1C3E;
	s5 =	simm.s32 @!p0 $0x0  }
0x7: {  	[spmem:s5], [sflag:s2] =	dma.local @!p0 [hbm:s1], $0x40  }
0x8: {  	s2 =	sadd.s32 s30, s29  }
0x9: {  	p1 =	slt.u32 s3, $0x8;
	s3 =	simm.s32 $0x19640;
	s2 =	smul.u32 $0x1F40, s2  }
0xa: {  	s3 =	simm.s32 @!p1 $0x17700  }
0xb: {  	s3 =	sadd.s32 s3, s2  }
0xc: {  	s3 =	smin.u32 s3, $0x186A00  }
0xd: {  	s8 =	ssub.s32 s3, s2  }
0xe: {  	p1 =	sgt.s32 s8, $0x0  }
0xf: {  	s8 =	simm.s32 @!p1 $0x0  }
0x10: {  	s5 =	simm.s32 @!p0 $0x3E;
	s31 =	smulhi.u32 $0x10624DD3, s8  }
0x11: {  	_ =	swait.ge @!p0 [sflag:s5], $0x40  }
0x12: {  	s6 =	simm.s32 $0x2;
	[sflag:s5] =	ssyncset.done @!p0 $0x0;
	s9 =	sshrl.u32 s31, $0x9  }
0x13: {  	s11 =	simm.s32 $0x0;
	[sflag:s5] =	ssyncadd.s32 @!p0 $0xFFFFFFC0;
	s10 =	smul.u32 $0x1F40, s9  }
.Ltmp0:
0x14: {  	s5 =	sadd.s32 $0x30DC00, s7;
	[bflag:$0x0] =	sbarrier.arrive $0xFFFF;
	(pc) =	sbr.rel .LBB2_1-.Ltmp0, $4  }
0x15: {  	s7 =	sadd.s32 $0x33EA00, s7;
	[sflag:s4] =	ssyncpa.u1 $0x1;
	s4 =	simm.s32 $0x1  }
0x16: {  	[sflag:s4] =	ssyncpa.u1 $0x0;
	p1 =	sne.s32 s8, s10;
	s8 =	simm.s32 $0x1  }
0x17: {  	(ifvalue) =	ssetifvalue $0x200;
	[sflag:s6] =	ssyncpa.u1 $0x0;
	s8 =	simm.s32 @!p1 $0x0  }
0x18: {  	vm0 =	vmmov $0xffff;
	s10 =	smov.u32 s2;
	s8 =	sadd.s32 s8, s9;
	s9 =	simm.s32 $0x0  }
.LBB2_5:
0x19: {  	p2 =	sne.s32 s11, s8  }
.Ltmp1:
0x1a: {  	_ = 	snop;
	(pc) =	sbr.rel @!p2 .LBB2_6-.Ltmp1, $4  }
0x1b: {  	_ = 	snop  }
0x1c: {  	s12 =	sadd.s32 $0x1F40, s10  }
0x1d: {  	s10 =	smov.u32 s2;
	s13 =	sadd.s32 $0x1, s11;
	p1 =	slt.s32 s12, s3  }
0x1e: {  	s11 =	smov.u32 s13;
	s10 =	smov.u32 @p1 s12  }
.LBB2_1:
0x1f: {  	p1 =	sge.u32 s11, s8  }
0x20: {  	s12 =	sxor.u32 @!p1 $0xFFFFFFFF, s11  }
0x21: {  	s12 =	sand.u32 @!p1 $0x1, s12  }
0x22: {  	s12 =	smul.u32 @!p1 $0x1F40, s12  }
0x23: {  	s13 =	sshrl.u32 @!p1 s10, $0x3  }
0x24: {  	s16 =	sand.u32 @!p1 $0x7, s10;
	s14 =	sadd.s32 @!p1 s5, s13;
	s15 =	sor.u32 @!p1 $0x20, s12  }
0x25: {  	[tilespmem:s15], [sflag:$0x2] =	stream.linear.gather @!p1 [hbm4b:s14+s16], $0x1F40, $0x38;
	[tilespmem:$0x7D20] =	vst v63  }
0x26: {  	s13 =	sadd.s32 @!p1 s7, s13;
	s12 =	sadd.s32 @!p1 $0x3EA0, s12  }
0x27: {  	[tilespmem:s12], [sflag:$0x2] =	stream.linear.gather @!p1 [hbm4b:s13+s16], $0x1F40, $0x38;
	[tilespmem:$0x7D20] =	vst v63  }
0x28: {  	p1 =	seq.s32 s11, $0x0  }
.Ltmp2:
0x29: {  	_ = 	snop;
	(pc) =	sbr.rel @p1 .LBB2_5-.Ltmp2, $1  }
0x2a: {  	_ =	sdelay $0x3  }
0x2b: {  	s12 =	sand.u32 $0x1, s11  }
0x2c: {  	_ =	swait.ge [sflag:s6], $0x3E80;
	p1 =	seq.s32 s12, $0x1;
	s12 =	simm.s32 $0x1F40  }
0x2d: {  	[sflag:s6] =	ssyncset.done $0x0;
	s12 =	simm.s32 @!p1 $0x0  }
0x2e: {  	[sflag:s6] =	ssyncadd.s32 $0xFFFFC180;
	s14 =	sor.u32 $0x20, s12  }
0x2f: {  	v0 =	vld.msk [tilespmem:s14+$0x0 ss:$0x1], $0xffff;
	_ =	sdelay $0x4  }
0x30: {  	v0 =	vmin.u32 v0, $0x200;
	_ =	sdelay $0x3  }
0x31: {  	s13 =	simm.s32 $0x0;
	s12 =	sadd.s32 $0x3EA0, s12;
	s14 =	sadd.s32 $0x10, s14  }
0x32: {  	[spmem:s9] =	stream.indirect_vreg.scatter.add.s32 [tilespmem:s12], [sflag:$0x1], $0x1, v0, vm0, $0x4038;
	[tilespmem:$0x7D20] =	vst v63  }
.LBB2_3:
0x33: {  	v0 =	vld.msk [tilespmem:s14+$0x0 ss:$0x1], $0xffff;
	s13 =	sadd.s32 $0x10, s13  }
0x34: {  	p1 =	slt.u32 s13, $0x1F30;
	_ =	sdelay $0x4  }
0x35: {  	v0 =	vmin.u32 v0, $0x200  }
.Ltmp3:
0x36: {  	(pc) =	sbr.rel @p1 .LBB2_3-.Ltmp3, $3  }
0x37: {  	_ =	sdelay $0x1  }
0x38: {  	s14 =	sadd.s32 $0x10, s14;
	s12 =	sadd.s32 $0x10, s12  }
0x39: {  	[spmem:s9] =	stream.indirect_vreg.scatter.add.s32 [tilespmem:s12], [sflag:$0x1], $0x1, v0, vm0, $0x4038;
	[tilespmem:$0x7D20] =	vst v63  }
.Ltmp4:
0x3a: {  	(pc) =	sbr.rel .LBB2_5-.Ltmp4, $4  }
0x3b: {  	_ = 	snop  }
0x3c: {  	_ =	swait.ge [sflag:s4], $0x1F40  }
0x3d: {  	[sflag:s4] =	ssyncset.done $0x0  }
0x3e: {  	[sflag:s4] =	ssyncadd.s32 $0xFFFFE0C0  }
.LBB2_6:
0x3f: {  	_ =	sfence.sel $0x180000  }
0x40: {  	s2 =	simm.s32 $0x2;
	[bflag:$0x0] =	sbarrier.arrive $0xFFFF  }
0x41: {  	s30 =	simm.s32 $0x1;
	[sflag:s2] =	ssyncpa.u1 $0x1  }
0x42: {  	[sflag:s30] =	ssyncpa.u1 $0x1  }
0x43: {  	_ =	sfence.stream.spmem  }
0x44: {  	s31 =	simm.s32 $0x3D;
	[bflag:$0x0] =	sbarrier.arrive $0xFFFF  }
0x45: {  	s2 =	simm.s32 @p0 $0x3D;
	[sflag:s31] =	ssyncpa.u1 $0x0  }
0x46: {  	[sflag:s2] =	ssyncpa.u1 @p0 $0x1  }
0x47: {  	[bflag:$0x0] =	sbarrier.arrive @p0 $0xFFFF  }
0x48: {  	_ =	strace @p0 $0x90000047  }
0x49: {  	s3 =	simm.s32 @!p0 $0x1C3D;
	s2 =	simm.s32 @!p0 $0x0;
	[bflag:$0x2] =	sbarrier.arrive @p0 $0xFFFF  }
0x4a: {  	[hbm:s1], [sflag:s3] =	dma.local @!p0 [spmem:s2], $0x40  }
0x4b: {  	s1 =	simm.s32 @!p0 $0x3D  }
0x4c: {  	_ =	swait.ge @!p0 [sflag:s1], $0x40  }
0x4d: {  	[sflag:s1] =	ssyncset.done @!p0 $0x0  }
0x4e: {  	[sflag:s1] =	ssyncadd.s32 @!p0 $0xFFFFFFC0  }
0x4f: {  	[sflag:s1] =	ssyncpa.u1 @!p0 $0x1  }
0x50: {  	[bflag:$0x0] =	sbarrier.arrive @!p0 $0xFFFF  }
0x51: {  	_ =	strace @!p0 $0x90000047  }
0x52: {  	s0 =	sadd.s32 @!p0 $0x100000, s0;
	[bflag:$0x2] =	sbarrier.arrive @!p0 $0xFFFF  }
0x53: {  	[sflag:s0] =	ssyncadd.tile.s32 @!p0 $0x1;
	_ =	shalt  }
.Lfunc_end2:
_tile_overlayer_lowered:
.L_overlay_start_2:
0x54: {  	(tag) =	ssettag $0x2  }
0x55: {  	s0 =	rddreg [dreg:$0x0];
	s2 =	stileid.u32  }
0x56: {  	s1 =	rddreg [dreg:$0x1];
	p0 =	sne.s32 s2, $0x0  }
0x57: {  	s3 =	rddreg [dreg:$0x2];
	[bflag:$0x3] =	sbarrier.arrive $0xFFFF;
	s2 =	simm.s32 @!p0 $0x1C01  }
0x58: {  	[timem:s3], [sflag:s2] =	dma.local @!p0 [hbm:s0], s1  }
0x59: {  	s0 =	simm.s32 @!p0 $0x1  }
0x5a: {  	_ =	swait.ge @!p0 [sflag:s0], s1  }
0x5b: {  	s1 =	ssub.s32 @!p0 $0x0, s1;
	[sflag:s0] =	ssyncset.done @!p0 $0x0  }
0x5c: {  	[sflag:s0] =	ssyncadd.s32 @!p0 s1  }
0x5d: {  	[bflag:$0x3] =	sbarrier.arrive $0xFFFF  }
0x5e: {  	_ =	shalt  }

</sc_bundles>
